<compile_context>
chip_gen: v7x
topology: tpu7x:2x2x1
jax: 0.10.2.dev20260603
libtpu: 0.0.44.dev20260713+nightly
codegen_flags: <defaults>
</compile_context>

<pallas_src>
import functools

import jax
import jax.numpy as jnp
from jax import lax
from jax.experimental import pallas as pl
from jax.experimental.pallas import tpu as pltpu
from jax.experimental.pallas import tpu_sc as plsc

D = 768
E = 8
K = 2
FF = 3072
S = 2048
P = K * S

T2 = 256
NT2 = P // T2
G = NT2 + E
FT = 1536
NF = FF // FT

NC = 2
NS = 16
NW = NC * NS
CH = P // NW


def _router_body(x_ref, wg_ref, w2_ref, dest_ref, dhi_ref, pe_ref, pt_ref,
                 vl_ref, lo_ref, hi_ref, aux_ref):
    x = x_ref[...]
    wg = wg_ref[...]
    logits = jnp.dot(x, wg, preferred_element_type=jnp.float32)
    m = jnp.max(logits, axis=1, keepdims=True)
    p = jnp.exp(logits - m)
    p = p / jnp.sum(p, axis=1, keepdims=True)
    lane = jax.lax.broadcasted_iota(jnp.int32, (S, E), 1)
    m1 = jnp.max(p, axis=1, keepdims=True)
    i1 = jnp.min(jnp.where(p == m1, lane, E), axis=1, keepdims=True)
    pm = jnp.where(lane == i1, -jnp.inf, p)
    m2 = jnp.max(pm, axis=1, keepdims=True)
    i2 = jnp.min(jnp.where(pm == m2, lane, E), axis=1, keepdims=True)
    tot = m1 + m2
    w2_ref[...] = jnp.concatenate([m1 / tot, m2 / tot], axis=1)

    oh1 = (lane == i1).astype(jnp.float32)
    oh2 = (lane == i2).astype(jnp.float32)

    me = jnp.mean(p, axis=0, keepdims=True)
    cnt1 = jnp.sum(oh1, axis=0, keepdims=True)
    cnt2 = jnp.sum(oh2, axis=0, keepdims=True)
    cnt = cnt1 + cnt2
    aux_ref[...] = E * jnp.sum(me * (cnt / (S * K)), keepdims=True)

    r_i = jax.lax.broadcasted_iota(jnp.int32, (S, S), 0)
    c_i = jax.lax.broadcasted_iota(jnp.int32, (S, S), 1)
    lt = (c_i < r_i).astype(jnp.bfloat16)
    ohb = jnp.concatenate([oh1, oh2], axis=1).astype(jnp.bfloat16)
    pp = jnp.dot(lt, ohb, preferred_element_type=jnp.float32)
    p1 = pp[:, :E]
    p2 = pp[:, E:]

    e_r = jax.lax.broadcasted_iota(jnp.int32, (E, E), 0)
    e_c = jax.lax.broadcasted_iota(jnp.int32, (E, E), 1)
    u_strict = (e_r < e_c).astype(jnp.float32)
    u_incl = (e_r <= e_c).astype(jnp.float32)
    lo = jnp.dot(cnt, u_strict, preferred_element_type=jnp.float32,
                 precision=jax.lax.Precision.HIGHEST)
    hi = lo + cnt
    lo_ref[...] = lo.astype(jnp.int32)
    hi_ref[...] = hi.astype(jnp.int32)

    d1 = jnp.sum(oh1 * (lo + p1), axis=1, keepdims=True)
    d2 = jnp.sum(oh2 * (lo + cnt1 + p2), axis=1, keepdims=True)
    dest = jnp.concatenate([d1, d2], axis=0).astype(jnp.int32)
    dest_ref[...] = dest
    dhi_ref[...] = dest + P

    lo_i = lo.astype(jnp.int32)
    hi_i = hi.astype(jnp.int32)
    ft = jax.lax.shift_right_logical(lo_i, 8)
    ltile = jax.lax.shift_right_logical(hi_i - 1, 8)
    ntl = jnp.where(hi_i > lo_i, ltile - ft + 1, 0)
    ssi = jnp.dot(ntl.astype(jnp.float32), u_incl,
                  preferred_element_type=jnp.float32,
                  precision=jax.lax.Precision.HIGHEST).astype(jnp.int32)
    ssx = ssi - ntl
    total = ssi[:, E - 1:E]

    g8 = jax.lax.broadcasted_iota(jnp.int32, (G, E), 0)
    e_g = jnp.sum((ssi <= g8).astype(jnp.int32), axis=1, keepdims=True)
    e_g = jnp.minimum(e_g, E - 1)
    ohg = (jax.lax.broadcasted_iota(jnp.int32, (G, E), 1) == e_g)
    ohg = ohg.astype(jnp.int32)
    ft_g = jnp.sum(ohg * ft, axis=1, keepdims=True)
    ssx_g = jnp.sum(ohg * ssx, axis=1, keepdims=True)
    gcol = jax.lax.broadcasted_iota(jnp.int32, (G, 1), 0)
    t_g = ft_g + (gcol - ssx_g)
    t_g = jnp.clip(t_g, 0, NT2 - 1)
    pe_ref[...] = e_g
    pt_ref[...] = t_g
    vl_ref[...] = (gcol < total).astype(jnp.int32)


@functools.lru_cache(maxsize=1)
def _sc_kernels():
    mesh = plsc.VectorSubcoreMesh(core_axis_name="c", subcore_axis_name="s")

    @functools.partial(
        pl.kernel, mesh=mesh,
        out_type=jax.ShapeDtypeStruct((P, D), jnp.float32),
        scratch_types=[pltpu.VMEM((CH,), jnp.int32),
                       pltpu.VMEM((CH, D), jnp.float32),
                       pltpu.SemaphoreType.DMA],
    )
    def sc_dispatch(x_hbm, dest_hbm, xs_hbm, idx_v, rows_v, sem):
        wid = lax.axis_index("s") * NC + lax.axis_index("c")
        base = pl.multiple_of(wid * CH, CH)
        tstart = pl.multiple_of(jnp.bitwise_and(base, S - 1), CH)
        pltpu.sync_copy(x_hbm.at[pl.ds(tstart, CH)], rows_v)
        pltpu.sync_copy(dest_hbm.at[pl.ds(base, CH)], idx_v)
        pltpu.async_copy(rows_v, xs_hbm.at[idx_v], sem).wait()

    @functools.partial(
        pl.kernel, mesh=mesh,
        out_type=jax.ShapeDtypeStruct((NF * P, D), jnp.float32),
        scratch_types=[pltpu.VMEM((CH,), jnp.int32),
                       pltpu.VMEM((CH, D), jnp.float32),
                       pltpu.SemaphoreType.DMA],
    )
    def sc_gather_back(ys_hbm, dest_hbm, dhi_hbm, yp_hbm, idx_v, rows_v, sem):
        wid = lax.axis_index("s") * NC + lax.axis_index("c")
        base = pl.multiple_of(wid * CH, CH)
        pltpu.sync_copy(dest_hbm.at[pl.ds(base, CH)], idx_v)
        pltpu.async_copy(ys_hbm.at[idx_v], rows_v, sem).wait()
        pltpu.sync_copy(rows_v, yp_hbm.at[pl.ds(base, CH)])
        pltpu.sync_copy(dhi_hbm.at[pl.ds(base, CH)], idx_v)
        pltpu.async_copy(ys_hbm.at[idx_v], rows_v, sem).wait()
        pltpu.sync_copy(rows_v, yp_hbm.at[pl.ds(P + base, CH)])

    return sc_dispatch, sc_gather_back


def _sc_dispatch(xf, dest1):
    return _sc_kernels()[0](xf, dest1)


def _sc_gather_back(ys_flat, dest1, dhi1):
    return _sc_kernels()[1](ys_flat, dest1, dhi1)


def _gemm_body(pe_ref, pt_ref, vl_ref, fr_ref, lo_ref, hi_ref,
               xs_ref, w1_ref, w3_ref, w2_ref, out_ref):
    g = pl.program_id(1)
    e = pe_ref[g]
    t = pt_ref[g]

    @pl.when(vl_ref[g] == 1)
    def _():
        x = xs_ref[...]
        a = jnp.dot(x, w1_ref[0], preferred_element_type=jnp.float32)
        b = jnp.dot(x, w3_ref[0], preferred_element_type=jnp.float32)
        h = (a / (1.0 + jnp.exp(-a))) * b
        ye = jnp.dot(h, w2_ref[0], preferred_element_type=jnp.float32)
        qrow = t * T2 + jax.lax.broadcasted_iota(jnp.int32, (T2, 1), 0)
        msk = (qrow >= lo_ref[e]) & (qrow < hi_ref[e])
        contrib = jnp.where(msk, ye, 0.0)

        @pl.when(fr_ref[g] == 1)
        def _():
            out_ref[0] = contrib

        @pl.when(fr_ref[g] == 0)
        def _():
            out_ref[0] += contrib


def _combine_body(w_ref, a0_ref, a1_ref, b0_ref, b1_ref, out_ref):
    lane = jax.lax.broadcasted_iota(jnp.int32, (512, K), 1)
    wv = w_ref[...]
    c0 = jnp.sum(jnp.where(lane == 0, wv, 0.0), axis=1, keepdims=True)
    c1 = jnp.sum(jnp.where(lane == 1, wv, 0.0), axis=1, keepdims=True)
    out_ref[...] = (c0 * (a0_ref[0] + b0_ref[0])
                    + c1 * (a1_ref[0] + b1_ref[0]))


def _router_call(xf, Wg):
    return pl.pallas_call(
        _router_body,
        out_shape=[
            jax.ShapeDtypeStruct((S, K), jnp.float32),
            jax.ShapeDtypeStruct((P, 1), jnp.int32),
            jax.ShapeDtypeStruct((P, 1), jnp.int32),
            jax.ShapeDtypeStruct((G, 1), jnp.int32),
            jax.ShapeDtypeStruct((G, 1), jnp.int32),
            jax.ShapeDtypeStruct((G, 1), jnp.int32),
            jax.ShapeDtypeStruct((1, E), jnp.int32),
            jax.ShapeDtypeStruct((1, E), jnp.int32),
            jax.ShapeDtypeStruct((1, 1), jnp.float32),
        ],
    )(xf, Wg)


def kernel(x, Wg, W1, W3, W2):
    xf = x.reshape(S, D)
    w2, dest, dhi, pe, pt, vl, lo, hi, aux = _router_call(xf, Wg)

    dest1 = dest.reshape(P)
    dhi1 = dhi.reshape(P)
    pe1 = pe.reshape(G)
    pt1 = pt.reshape(G)
    vl1 = vl.reshape(G)
    lo1 = lo.reshape(E)
    hi1 = hi.reshape(E)
    fr1 = jnp.concatenate(
        [jnp.ones((1,), jnp.int32), (pt1[1:] != pt1[:-1]).astype(jnp.int32)])

    xs = _sc_dispatch(xf, dest1)

    ysp = _gemm_call(pe1, pt1, vl1, fr1, lo1, hi1, xs, W1, W3, W2)

    yp = _sc_gather_back(ysp.reshape(NF * P, D), dest1, dhi1)
    yp2 = yp.reshape(NF, P, D)

    y = _combine_call(w2, yp2)

    return y.reshape(1, S, D), aux.reshape(())


def _gemm_call(pe1, pt1, vl1, fr1, lo1, hi1, xs, W1, W3, W2):
    return pl.pallas_call(
        _gemm_body,
        grid_spec=pltpu.PrefetchScalarGridSpec(
            num_scalar_prefetch=6,
            grid=(NF, G),
            in_specs=[
                pl.BlockSpec((T2, D),
                             lambda f, g, pe, pt, vl, fr, lo, hi: (pt[g], 0)),
                pl.BlockSpec((1, D, FT),
                             lambda f, g, pe, pt, vl, fr, lo, hi: (pe[g], 0, f)),
                pl.BlockSpec((1, D, FT),
                             lambda f, g, pe, pt, vl, fr, lo, hi: (pe[g], 0, f)),
                pl.BlockSpec((1, FT, D),
                             lambda f, g, pe, pt, vl, fr, lo, hi: (pe[g], f, 0)),
            ],
            out_specs=pl.BlockSpec(
                (1, T2, D),
                lambda f, g, pe, pt, vl, fr, lo, hi: (f, pt[g], 0)),
        ),
        out_shape=jax.ShapeDtypeStruct((NF, P, D), jnp.float32),
    )(pe1, pt1, vl1, fr1, lo1, hi1, xs, W1, W3, W2)


def _combine_call(w2, yp2):
    NB = S // 512
    return pl.pallas_call(
        _combine_body,
        grid=(NB,),
        in_specs=[
            pl.BlockSpec((512, K), lambda t: (t, 0)),
            pl.BlockSpec((1, 512, D), lambda t: (0, t, 0)),
            pl.BlockSpec((1, 512, D), lambda t: (0, NB + t, 0)),
            pl.BlockSpec((1, 512, D), lambda t: (1, t, 0)),
            pl.BlockSpec((1, 512, D), lambda t: (1, NB + t, 0)),
        ],
        out_specs=pl.BlockSpec((512, D), lambda t: (t, 0)),
        out_shape=jax.ShapeDtypeStruct((S, D), jnp.float32),
    )(w2, yp2, yp2, yp2, yp2)

# --- scband reference (transcript-rebuilt; emitter-appended) ---
"""Pipeline reference for scband-mo-e-63015760167571 (READ-ONLY COPY).

The authoritative reference and input builder live on the scoring server;
editing this copy changes nothing except your own understanding.
"""

import jax, jax.numpy as jnp
import numpy as np

D = 768
E = 8
K = 2
MULT = 4
FF = D * MULT


def setup_inputs(seed: int = 0) -> dict:
    key = jax.random.key(seed)
    ks = jax.random.split(key, 5)
    x = jax.random.normal(ks[0], (1, 2048, D), dtype=jnp.float32)
    Wg = jax.random.normal(ks[1], (D, E), dtype=jnp.float32) * 0.02
    W1 = jax.random.normal(ks[2], (E, D, FF), dtype=jnp.float32) * 0.02
    W3 = jax.random.normal(ks[3], (E, D, FF), dtype=jnp.float32) * 0.02
    W2 = jax.random.normal(ks[4], (E, FF, D), dtype=jnp.float32) * 0.02
    return {"x": x, "Wg": Wg, "W1": W1, "W3": W3, "W2": W2}


def reference(x, Wg, W1, W3, W2):
    B, T, d = x.shape
    S = B * T
    xf = x.reshape(S, d)
    # TopKGate: linear router -> softmax -> top-k, renormalized weights
    logits = xf @ Wg
    probs = jax.nn.softmax(logits, axis=-1)
    w_vals, idx = jax.lax.top_k(probs, K)
    w = w_vals / jnp.sum(w_vals, axis=-1, keepdims=True)
    # token-wise dispatch/combine (expert computed densely, masked combine)
    y = jnp.zeros_like(xf)
    for e in range(E):
        h = jax.nn.silu(xf @ W1[e]) * (xf @ W3[e])  # SwiGLU expert MLP
        ye = h @ W2[e]
        coef = jnp.zeros((S,), dtype=xf.dtype)
        for slot in range(K):
            coef = coef + jnp.where(idx[:, slot] == e, w[:, slot], jnp.zeros_like(w[:, slot]))
        y = y + coef[:, None] * ye
    # load-balancing aux loss (switch-style)
    me = jnp.mean(probs, axis=0)
    onehot = jax.nn.one_hot(idx, E, dtype=xf.dtype)
    ce = jnp.mean(jnp.sum(onehot, axis=1), axis=0) / K
    aux = E * jnp.sum(me * ce)
    return y.reshape(B, T, d), aux

if __name__ == "__main__":
    import jax
    _d = setup_inputs()
    print(jax.jit(kernel)(*tuple(_d.values())))

</pallas_src>

<mosaic_0001>
#map = affine_map<(d0, d1) -> (0, 0)>
#map1 = affine_map<(d0, d1) -> (0)>
module attributes {stable_mosaic.version = 14 : i64} {
  func.func @sc_gather_back(%arg0: i32, %arg1: i32, %arg2: memref<8192x768xf32, #tpu.memory_space<hbm>>, %arg3: memref<4096xi32, #tpu.memory_space<hbm>>, %arg4: memref<4096xi32, #tpu.memory_space<hbm>>, %arg5: memref<8192x768xf32, #tpu.memory_space<hbm>>, %arg6: memref<128xi32, #tpu.memory_space<vmem>>, %arg7: memref<128x768xf32, #tpu.memory_space<vmem>>, %arg8: memref<!tpu.dma_semaphore, #tpu.memory_space<semaphore_mem>>) attributes {dimension_semantics = [#tpu.dimension_semantics<core_parallel>, #tpu.dimension_semantics<subcore_parallel>], iteration_bounds = array<i64: 2, 16>, scalar_prefetch = 0 : i64, scratch_operands = 3 : i64, tpu.core_type = #tpu.core_type<sc_vector_subcore>, window_params = [{transform_indices = #map}, {transform_indices = #map1}, {transform_indices = #map1}, {transform_indices = #map}]} {
    %mul3A = arith.constant 2 : i32
    %mul3A_0 = arith.muli %arg1, %mul3A : i32
    %add3A = arith.addi %mul3A_0, %arg0 : i32
    %mul3A_1 = arith.constant 128 : i32
    %mul3A_2 = arith.muli %add3A, %mul3A_1 : i32
    %multiple_of3A = tpu.assume_multiple %mul3A_2, 128 : i32
    "tpu.region"() ({
      %run_scoped3A = tpu.sem_alloc : memref<!tpu.dma_semaphore, #tpu.memory_space<semaphore_mem>>
      %dma_start3A_15 = tpu.memref_slice %arg3[%multiple_of3A] : memref<4096xi32, #tpu.memory_space<hbm>> -> memref<128xi32, #tpu.memory_space<hbm>>
      %dma_start3A_16 = tpu.memref_slice %arg3[%multiple_of3A] : memref<4096xi32, #tpu.memory_space<hbm>> -> memref<128xi32, #tpu.memory_space<hbm>>
      tpu.enqueue_dma source(%dma_start3A_16 : memref<128xi32, #tpu.memory_space<hbm>>) target(%arg6 : memref<128xi32, #tpu.memory_space<vmem>>) target_semaphore(%run_scoped3A : memref<!tpu.dma_semaphore, #tpu.memory_space<semaphore_mem>>)
      %dma_wait3A_17 = tpu.memref_slice %arg3[%multiple_of3A] : memref<4096xi32, #tpu.memory_space<hbm>> -> memref<128xi32, #tpu.memory_space<hbm>>
      %dma_wait3A_18 = tpu.memref_slice %arg3[%multiple_of3A] : memref<4096xi32, #tpu.memory_space<hbm>> -> memref<128xi32, #tpu.memory_space<hbm>>
      tpu.wait_dma2 semaphore(%run_scoped3A : memref<!tpu.dma_semaphore, #tpu.memory_space<semaphore_mem>>) src(%dma_wait3A_18 : memref<128xi32, #tpu.memory_space<hbm>>) dst(%arg6 : memref<128xi32, #tpu.memory_space<vmem>>)
      tpu.yield
    }) : () -> ()
    %dma_start3A = arith.constant 0 : i32
    %dma_start3A_3 = arith.constant 0 : i32
    %dma_start3A_4 = tpu.memref_slice %arg2[%dma_start3A, %dma_start3A_3] : memref<8192x768xf32, #tpu.memory_space<hbm>> -> memref<8192x768xf32, #tpu.memory_space<hbm>>
    tpu.enqueue_indirect_dma source(%dma_start3A_4 : memref<8192x768xf32, #tpu.memory_space<hbm>>) target(%arg7 : memref<128x768xf32, #tpu.memory_space<vmem>>) offsets(%arg6 : memref<128xi32, #tpu.memory_space<vmem>>) semaphore(%arg8 : memref<!tpu.dma_semaphore, #tpu.memory_space<semaphore_mem>>)
    %dma_wait3A = arith.constant 0 : i32
    %dma_wait3A_5 = arith.constant 0 : i32
    %dma_wait3A_6 = tpu.memref_slice %arg2[%dma_wait3A, %dma_wait3A_5] : memref<8192x768xf32, #tpu.memory_space<hbm>> -> memref<8192x768xf32, #tpu.memory_space<hbm>>
    tpu.wait_indirect_dma semaphore(%arg8 : memref<!tpu.dma_semaphore, #tpu.memory_space<semaphore_mem>>) src(%dma_wait3A_6 : memref<8192x768xf32, #tpu.memory_space<hbm>>) dst(%arg7 : memref<128x768xf32, #tpu.memory_space<vmem>>)
    "tpu.region"() ({
      %run_scoped3A = tpu.sem_alloc : memref<!tpu.dma_semaphore, #tpu.memory_space<semaphore_mem>>
      %dma_start3A_15 = arith.constant 0 : i32
      %dma_start3A_16 = tpu.memref_slice %arg5[%multiple_of3A, %dma_start3A_15] : memref<8192x768xf32, #tpu.memory_space<hbm>> -> memref<128x768xf32, #tpu.memory_space<hbm>>
      %dma_start3A_17 = arith.constant 0 : i32
      %dma_start3A_18 = tpu.memref_slice %arg5[%multiple_of3A, %dma_start3A_17] : memref<8192x768xf32, #tpu.memory_space<hbm>> -> memref<128x768xf32, #tpu.memory_space<hbm>>
      tpu.enqueue_dma source(%arg7 : memref<128x768xf32, #tpu.memory_space<vmem>>) target(%dma_start3A_18 : memref<128x768xf32, #tpu.memory_space<hbm>>) target_semaphore(%run_scoped3A : memref<!tpu.dma_semaphore, #tpu.memory_space<semaphore_mem>>)
      %dma_wait3A_19 = arith.constant 0 : i32
      %dma_wait3A_20 = tpu.memref_slice %arg5[%multiple_of3A, %dma_wait3A_19] : memref<8192x768xf32, #tpu.memory_space<hbm>> -> memref<128x768xf32, #tpu.memory_space<hbm>>
      %dma_wait3A_21 = arith.constant 0 : i32
      %dma_wait3A_22 = tpu.memref_slice %arg5[%multiple_of3A, %dma_wait3A_21] : memref<8192x768xf32, #tpu.memory_space<hbm>> -> memref<128x768xf32, #tpu.memory_space<hbm>>
      tpu.wait_dma2 semaphore(%run_scoped3A : memref<!tpu.dma_semaphore, #tpu.memory_space<semaphore_mem>>) src(%arg7 : memref<128x768xf32, #tpu.memory_space<vmem>>) dst(%dma_wait3A_22 : memref<128x768xf32, #tpu.memory_space<hbm>>)
      tpu.yield
    }) : () -> ()
    "tpu.region"() ({
      %run_scoped3A = tpu.sem_alloc : memref<!tpu.dma_semaphore, #tpu.memory_space<semaphore_mem>>
      %dma_start3A_15 = tpu.memref_slice %arg4[%multiple_of3A] : memref<4096xi32, #tpu.memory_space<hbm>> -> memref<128xi32, #tpu.memory_space<hbm>>
      %dma_start3A_16 = tpu.memref_slice %arg4[%multiple_of3A] : memref<4096xi32, #tpu.memory_space<hbm>> -> memref<128xi32, #tpu.memory_space<hbm>>
      tpu.enqueue_dma source(%dma_start3A_16 : memref<128xi32, #tpu.memory_space<hbm>>) target(%arg6 : memref<128xi32, #tpu.memory_space<vmem>>) target_semaphore(%run_scoped3A : memref<!tpu.dma_semaphore, #tpu.memory_space<semaphore_mem>>)
      %dma_wait3A_17 = tpu.memref_slice %arg4[%multiple_of3A] : memref<4096xi32, #tpu.memory_space<hbm>> -> memref<128xi32, #tpu.memory_space<hbm>>
      %dma_wait3A_18 = tpu.memref_slice %arg4[%multiple_of3A] : memref<4096xi32, #tpu.memory_space<hbm>> -> memref<128xi32, #tpu.memory_space<hbm>>
      tpu.wait_dma2 semaphore(%run_scoped3A : memref<!tpu.dma_semaphore, #tpu.memory_space<semaphore_mem>>) src(%dma_wait3A_18 : memref<128xi32, #tpu.memory_space<hbm>>) dst(%arg6 : memref<128xi32, #tpu.memory_space<vmem>>)
      tpu.yield
    }) : () -> ()
    %dma_start3A_7 = arith.constant 0 : i32
    %dma_start3A_8 = arith.constant 0 : i32
    %dma_start3A_9 = tpu.memref_slice %arg2[%dma_start3A_7, %dma_start3A_8] : memref<8192x768xf32, #tpu.memory_space<hbm>> -> memref<8192x768xf32, #tpu.memory_space<hbm>>
    tpu.enqueue_indirect_dma source(%dma_start3A_9 : memref<8192x768xf32, #tpu.memory_space<hbm>>) target(%arg7 : memref<128x768xf32, #tpu.memory_space<vmem>>) offsets(%arg6 : memref<128xi32, #tpu.memory_space<vmem>>) semaphore(%arg8 : memref<!tpu.dma_semaphore, #tpu.memory_space<semaphore_mem>>)
    %dma_wait3A_10 = arith.constant 0 : i32
    %dma_wait3A_11 = arith.constant 0 : i32
    %dma_wait3A_12 = tpu.memref_slice %arg2[%dma_wait3A_10, %dma_wait3A_11] : memref<8192x768xf32, #tpu.memory_space<hbm>> -> memref<8192x768xf32, #tpu.memory_space<hbm>>
    tpu.wait_indirect_dma semaphore(%arg8 : memref<!tpu.dma_semaphore, #tpu.memory_space<semaphore_mem>>) src(%dma_wait3A_12 : memref<8192x768xf32, #tpu.memory_space<hbm>>) dst(%arg7 : memref<128x768xf32, #tpu.memory_space<vmem>>)
    %add3A_13 = arith.constant 4096 : i32
    %add3A_14 = arith.addi %add3A_13, %multiple_of3A : i32
    "tpu.region"() ({
      %run_scoped3A = tpu.sem_alloc : memref<!tpu.dma_semaphore, #tpu.memory_space<semaphore_mem>>
      %dma_start3A_15 = arith.constant 0 : i32
      %dma_start3A_16 = tpu.memref_slice %arg5[%add3A_14, %dma_start3A_15] : memref<8192x768xf32, #tpu.memory_space<hbm>> -> memref<128x768xf32, #tpu.memory_space<hbm>>
      %dma_start3A_17 = arith.constant 0 : i32
      %dma_start3A_18 = tpu.memref_slice %arg5[%add3A_14, %dma_start3A_17] : memref<8192x768xf32, #tpu.memory_space<hbm>> -> memref<128x768xf32, #tpu.memory_space<hbm>>
      tpu.enqueue_dma source(%arg7 : memref<128x768xf32, #tpu.memory_space<vmem>>) target(%dma_start3A_18 : memref<128x768xf32, #tpu.memory_space<hbm>>) target_semaphore(%run_scoped3A : memref<!tpu.dma_semaphore, #tpu.memory_space<semaphore_mem>>)
      %dma_wait3A_19 = arith.constant 0 : i32
      %dma_wait3A_20 = tpu.memref_slice %arg5[%add3A_14, %dma_wait3A_19] : memref<8192x768xf32, #tpu.memory_space<hbm>> -> memref<128x768xf32, #tpu.memory_space<hbm>>
      %dma_wait3A_21 = arith.constant 0 : i32
      %dma_wait3A_22 = tpu.memref_slice %arg5[%add3A_14, %dma_wait3A_21] : memref<8192x768xf32, #tpu.memory_space<hbm>> -> memref<128x768xf32, #tpu.memory_space<hbm>>
      tpu.wait_dma2 semaphore(%run_scoped3A : memref<!tpu.dma_semaphore, #tpu.memory_space<semaphore_mem>>) src(%arg7 : memref<128x768xf32, #tpu.memory_space<vmem>>) dst(%dma_wait3A_22 : memref<128x768xf32, #tpu.memory_space<hbm>>)
      tpu.yield
    }) : () -> ()
    return
  }
}

#map = affine_map<(d0, d1) -> (0, 0)>
#map1 = affine_map<(d0, d1) -> (0)>
module attributes {stable_mosaic.version = 14 : i64} {
  func.func @sc_dispatch(%arg0: i32, %arg1: i32, %arg2: memref<2048x768xf32, #tpu.memory_space<hbm>>, %arg3: memref<4096xi32, #tpu.memory_space<hbm>>, %arg4: memref<4096x768xf32, #tpu.memory_space<hbm>>, %arg5: memref<128xi32, #tpu.memory_space<vmem>>, %arg6: memref<128x768xf32, #tpu.memory_space<vmem>>, %arg7: memref<!tpu.dma_semaphore, #tpu.memory_space<semaphore_mem>>) attributes {dimension_semantics = [#tpu.dimension_semantics<core_parallel>, #tpu.dimension_semantics<subcore_parallel>], iteration_bounds = array<i64: 2, 16>, scalar_prefetch = 0 : i64, scratch_operands = 3 : i64, tpu.core_type = #tpu.core_type<sc_vector_subcore>, window_params = [{transform_indices = #map}, {transform_indices = #map1}, {transform_indices = #map}]} {
    %mul3A = arith.constant 2 : i32
    %mul3A_0 = arith.muli %arg1, %mul3A : i32
    %add3A = arith.addi %mul3A_0, %arg0 : i32
    %mul3A_1 = arith.constant 128 : i32
    %mul3A_2 = arith.muli %add3A, %mul3A_1 : i32
    %multiple_of3A = tpu.assume_multiple %mul3A_2, 128 : i32
    %and3A = arith.constant 2047 : i32
    %and3A_3 = arith.andi %multiple_of3A, %and3A : i32
    %multiple_of3A_4 = tpu.assume_multiple %and3A_3, 128 : i32
    "tpu.region"() ({
      %run_scoped3A = tpu.sem_alloc : memref<!tpu.dma_semaphore, #tpu.memory_space<semaphore_mem>>
      %dma_start3A_9 = arith.constant 0 : i32
      %dma_start3A_10 = tpu.memref_slice %arg2[%multiple_of3A_4, %dma_start3A_9] : memref<2048x768xf32, #tpu.memory_space<hbm>> -> memref<128x768xf32, #tpu.memory_space<hbm>>
      %dma_start3A_11 = arith.constant 0 : i32
      %dma_start3A_12 = tpu.memref_slice %arg2[%multiple_of3A_4, %dma_start3A_11] : memref<2048x768xf32, #tpu.memory_space<hbm>> -> memref<128x768xf32, #tpu.memory_space<hbm>>
      tpu.enqueue_dma source(%dma_start3A_12 : memref<128x768xf32, #tpu.memory_space<hbm>>) target(%arg6 : memref<128x768xf32, #tpu.memory_space<vmem>>) target_semaphore(%run_scoped3A : memref<!tpu.dma_semaphore, #tpu.memory_space<semaphore_mem>>)
      %dma_wait3A_13 = arith.constant 0 : i32
      %dma_wait3A_14 = tpu.memref_slice %arg2[%multiple_of3A_4, %dma_wait3A_13] : memref<2048x768xf32, #tpu.memory_space<hbm>> -> memref<128x768xf32, #tpu.memory_space<hbm>>
      %dma_wait3A_15 = arith.constant 0 : i32
      %dma_wait3A_16 = tpu.memref_slice %arg2[%multiple_of3A_4, %dma_wait3A_15] : memref<2048x768xf32, #tpu.memory_space<hbm>> -> memref<128x768xf32, #tpu.memory_space<hbm>>
      tpu.wait_dma2 semaphore(%run_scoped3A : memref<!tpu.dma_semaphore, #tpu.memory_space<semaphore_mem>>) src(%dma_wait3A_16 : memref<128x768xf32, #tpu.memory_space<hbm>>) dst(%arg6 : memref<128x768xf32, #tpu.memory_space<vmem>>)
      tpu.yield
    }) : () -> ()
    "tpu.region"() ({
      %run_scoped3A = tpu.sem_alloc : memref<!tpu.dma_semaphore, #tpu.memory_space<semaphore_mem>>
      %dma_start3A_9 = tpu.memref_slice %arg3[%multiple_of3A] : memref<4096xi32, #tpu.memory_space<hbm>> -> memref<128xi32, #tpu.memory_space<hbm>>
      %dma_start3A_10 = tpu.memref_slice %arg3[%multiple_of3A] : memref<4096xi32, #tpu.memory_space<hbm>> -> memref<128xi32, #tpu.memory_space<hbm>>
      tpu.enqueue_dma source(%dma_start3A_10 : memref<128xi32, #tpu.memory_space<hbm>>) target(%arg5 : memref<128xi32, #tpu.memory_space<vmem>>) target_semaphore(%run_scoped3A : memref<!tpu.dma_semaphore, #tpu.memory_space<semaphore_mem>>)
      %dma_wait3A_11 = tpu.memref_slice %arg3[%multiple_of3A] : memref<4096xi32, #tpu.memory_space<hbm>> -> memref<128xi32, #tpu.memory_space<hbm>>
      %dma_wait3A_12 = tpu.memref_slice %arg3[%multiple_of3A] : memref<4096xi32, #tpu.memory_space<hbm>> -> memref<128xi32, #tpu.memory_space<hbm>>
      tpu.wait_dma2 semaphore(%run_scoped3A : memref<!tpu.dma_semaphore, #tpu.memory_space<semaphore_mem>>) src(%dma_wait3A_12 : memref<128xi32, #tpu.memory_space<hbm>>) dst(%arg5 : memref<128xi32, #tpu.memory_space<vmem>>)
      tpu.yield
    }) : () -> ()
    %dma_start3A = arith.constant 0 : i32
    %dma_start3A_5 = arith.constant 0 : i32
    %dma_start3A_6 = tpu.memref_slice %arg4[%dma_start3A, %dma_start3A_5] : memref<4096x768xf32, #tpu.memory_space<hbm>> -> memref<4096x768xf32, #tpu.memory_space<hbm>>
    tpu.enqueue_indirect_dma source(%arg6 : memref<128x768xf32, #tpu.memory_space<vmem>>) target(%dma_start3A_6 : memref<4096x768xf32, #tpu.memory_space<hbm>>) offsets(%arg5 : memref<128xi32, #tpu.memory_space<vmem>>) semaphore(%arg7 : memref<!tpu.dma_semaphore, #tpu.memory_space<semaphore_mem>>)
    %dma_wait3A = arith.constant 0 : i32
    %dma_wait3A_7 = arith.constant 0 : i32
    %dma_wait3A_8 = tpu.memref_slice %arg4[%dma_wait3A, %dma_wait3A_7] : memref<4096x768xf32, #tpu.memory_space<hbm>> -> memref<4096x768xf32, #tpu.memory_space<hbm>>
    tpu.wait_indirect_dma semaphore(%arg7 : memref<!tpu.dma_semaphore, #tpu.memory_space<semaphore_mem>>) src(%arg6 : memref<128x768xf32, #tpu.memory_space<vmem>>) dst(%dma_wait3A_8 : memref<4096x768xf32, #tpu.memory_space<hbm>>)
    return
  }
}

module attributes {stable_mosaic.version = 14 : i64} {
  func.func @_router_body(%arg0: memref<2048x768xf32, #tpu.memory_space<vmem>>, %arg1: memref<768x8xf32, #tpu.memory_space<vmem>>, %arg2: memref<2048x2xf32, #tpu.memory_space<vmem>>, %arg3: memref<4096x1xi32, #tpu.memory_space<vmem>>, %arg4: memref<4096x1xi32, #tpu.memory_space<vmem>>, %arg5: memref<24x1xi32, #tpu.memory_space<vmem>>, %arg6: memref<24x1xi32, #tpu.memory_space<vmem>>, %arg7: memref<24x1xi32, #tpu.memory_space<vmem>>, %arg8: memref<1x8xi32, #tpu.memory_space<vmem>>, %arg9: memref<1x8xi32, #tpu.memory_space<vmem>>, %arg10: memref<1x1xf32, #tpu.memory_space<vmem>>) attributes {dimension_semantics = [], scalar_prefetch = 0 : i64, scratch_operands = 0 : i64, tpu.core_type = #tpu.core_type<tc>} {
    %get3A = arith.constant 0 : index
    %get3A_0 = arith.constant 0 : index
    %get3A_1 = vector.load %arg0[%get3A, %get3A_0] : memref<2048x768xf32, #tpu.memory_space<vmem>>, vector<2048x768xf32>
    %get3A_2 = arith.constant 0 : index
    %get3A_3 = arith.constant 0 : index
    %get3A_4 = vector.load %arg1[%get3A_2, %get3A_3] : memref<768x8xf32, #tpu.memory_space<vmem>>, vector<768x8xf32>
    %dot_general3A = arith.constant dense<0.000000e+00> : vector<2048x8xf32>
    %dot_general3A_5 = tpu.matmul %get3A_1, %get3A_4, %dot_general3A {dimension_numbers = #tpu.dot_dimension_numbers<[1], [0], [0], [1], [0, 0, 1, 1], [], []>, transpose_lhs_hint = false} : vector<2048x768xf32>, vector<768x8xf32>, vector<2048x8xf32> -> vector<2048x8xf32>
    %reduce_max3A = arith.constant dense<0xFF800000> : vector<2048xf32>
    %reduce_max3A_6 = vector.multi_reduction <maximumf>, %dot_general3A_5, %reduce_max3A [1] : vector<2048x8xf32> to vector<2048xf32>
    %broadcast_in_dim3A = vector.shape_cast %reduce_max3A_6 : vector<2048xf32> to vector<2048x1xf32>
    %sub3A = vector.broadcast %broadcast_in_dim3A : vector<2048x1xf32> to vector<2048x8xf32>
    %sub3A_7 = arith.subf %dot_general3A_5, %sub3A : vector<2048x8xf32>
    %exp3A = math.exp %sub3A_7 : vector<2048x8xf32>
    %reduce_sum3A = arith.constant dense<0.000000e+00> : vector<2048xf32>
    %reduce_sum3A_8 = vector.multi_reduction <add>, %exp3A, %reduce_sum3A [1] : vector<2048x8xf32> to vector<2048xf32>
    %broadcast_in_dim3A_9 = vector.shape_cast %reduce_sum3A_8 : vector<2048xf32> to vector<2048x1xf32>
    %div3A = vector.broadcast %broadcast_in_dim3A_9 : vector<2048x1xf32> to vector<2048x8xf32>
    %div3A_10 = arith.divf %exp3A, %div3A : vector<2048x8xf32>
    %iota3A = tpu.iota {dimensions = array<i32: 1>} : vector<2048x8xi32>
    %reduce_max3A_11 = arith.constant dense<0xFF800000> : vector<2048xf32>
    %reduce_max3A_12 = vector.multi_reduction <maximumf>, %div3A_10, %reduce_max3A_11 [1] : vector<2048x8xf32> to vector<2048xf32>
    %broadcast_in_dim3A_13 = vector.shape_cast %reduce_max3A_12 : vector<2048xf32> to vector<2048x1xf32>
    %eq3A = vector.broadcast %broadcast_in_dim3A_13 : vector<2048x1xf32> to vector<2048x8xf32>
    %eq3A_14 = arith.cmpf oeq, %div3A_10, %eq3A : vector<2048x8xf32>
    %jit3A = arith.constant 8 : i32
    %broadcast_in_dim3A_15 = vector.broadcast %jit3A : i32 to vector<2048x8xi32>
    %select_n3A = arith.select %eq3A_14, %iota3A, %broadcast_in_dim3A_15 : vector<2048x8xi1>, vector<2048x8xi32>
    %reduce_min3A = arith.constant dense<2147483647> : vector<2048xi32>
    %reduce_min3A_16 = vector.multi_reduction <minsi>, %select_n3A, %reduce_min3A [1] : vector<2048x8xi32> to vector<2048xi32>
    %broadcast_in_dim3A_17 = vector.shape_cast %reduce_min3A_16 : vector<2048xi32> to vector<2048x1xi32>
    %eq3A_18 = vector.broadcast %broadcast_in_dim3A_17 : vector<2048x1xi32> to vector<2048x8xi32>
    %eq3A_19 = arith.cmpi eq, %iota3A, %eq3A_18 : vector<2048x8xi32>
    %jit3A_20 = arith.constant 0xFF800000 : f32
    %broadcast_in_dim3A_21 = vector.broadcast %jit3A_20 : f32 to vector<2048x8xf32>
    %select_n3A_22 = arith.select %eq3A_19, %broadcast_in_dim3A_21, %div3A_10 : vector<2048x8xi1>, vector<2048x8xf32>
    %reduce_max3A_23 = arith.constant dense<0xFF800000> : vector<2048xf32>
    %reduce_max3A_24 = vector.multi_reduction <maximumf>, %select_n3A_22, %reduce_max3A_23 [1] : vector<2048x8xf32> to vector<2048xf32>
    %broadcast_in_dim3A_25 = vector.shape_cast %reduce_max3A_24 : vector<2048xf32> to vector<2048x1xf32>
    %eq3A_26 = vector.broadcast %broadcast_in_dim3A_25 : vector<2048x1xf32> to vector<2048x8xf32>
    %eq3A_27 = arith.cmpf oeq, %select_n3A_22, %eq3A_26 : vector<2048x8xf32>
    %jit3A_28 = arith.constant 8 : i32
    %broadcast_in_dim3A_29 = vector.broadcast %jit3A_28 : i32 to vector<2048x8xi32>
    %select_n3A_30 = arith.select %eq3A_27, %iota3A, %broadcast_in_dim3A_29 : vector<2048x8xi1>, vector<2048x8xi32>
    %reduce_min3A_31 = arith.constant dense<2147483647> : vector<2048xi32>
    %reduce_min3A_32 = vector.multi_reduction <minsi>, %select_n3A_30, %reduce_min3A_31 [1] : vector<2048x8xi32> to vector<2048xi32>
    %broadcast_in_dim3A_33 = vector.shape_cast %reduce_min3A_32 : vector<2048xi32> to vector<2048x1xi32>
    %add3A = arith.addf %broadcast_in_dim3A_13, %broadcast_in_dim3A_25 : vector<2048x1xf32>
    %div3A_34 = arith.divf %broadcast_in_dim3A_13, %add3A : vector<2048x1xf32>
    %div3A_35 = arith.divf %broadcast_in_dim3A_25, %add3A : vector<2048x1xf32>
    %concatenate3A = tpu.concatenate %div3A_34, %div3A_35 in 1 : vector<2048x1xf32>, vector<2048x1xf32> -> vector<2048x2xf32>
    %swap3A = arith.constant 0 : index
    %swap3A_36 = arith.constant 0 : index
    %swap3A_37 = vector.load %arg2[%swap3A, %swap3A_36] : memref<2048x2xf32, #tpu.memory_space<vmem>>, vector<2048x2xf32>
    tpu.vector_store %arg2[%swap3A, %swap3A_36], %concatenate3A {strides = array<i32>} : memref<2048x2xf32, #tpu.memory_space<vmem>>, vector<2048x2xf32>,
    %eq3A_38 = vector.broadcast %broadcast_in_dim3A_17 : vector<2048x1xi32> to vector<2048x8xi32>
    %eq3A_39 = arith.cmpi eq, %iota3A, %eq3A_38 : vector<2048x8xi32>
    %convert_element_type3A = arith.extui %eq3A_39 : vector<2048x8xi1> to vector<2048x8xi32>
    %convert_element_type3A_40 = arith.sitofp %convert_element_type3A : vector<2048x8xi32> to vector<2048x8xf32>
    %eq3A_41 = vector.broadcast %broadcast_in_dim3A_33 : vector<2048x1xi32> to vector<2048x8xi32>
    %eq3A_42 = arith.cmpi eq, %iota3A, %eq3A_41 : vector<2048x8xi32>
    %convert_element_type3A_43 = arith.extui %eq3A_42 : vector<2048x8xi1> to vector<2048x8xi32>
    %convert_element_type3A_44 = arith.sitofp %convert_element_type3A_43 : vector<2048x8xi32> to vector<2048x8xf32>
    %reduce_sum3A_45 = arith.constant dense<0.000000e+00> : vector<8xf32>
    %reduce_sum3A_46 = vector.multi_reduction <add>, %div3A_10, %reduce_sum3A_45 [0] : vector<2048x8xf32> to vector<8xf32>
    %broadcast_in_dim3A_47 = vector.shape_cast %reduce_sum3A_46 : vector<8xf32> to vector<1x8xf32>
    %div3A_48 = arith.constant 2.048000e+03 : f32
    %div3A_49 = vector.broadcast %div3A_48 : f32 to vector<1x8xf32>
    %div3A_50 = arith.divf %broadcast_in_dim3A_47, %div3A_49 : vector<1x8xf32>
    %reduce_sum3A_51 = arith.constant dense<0.000000e+00> : vector<8xf32>
    %reduce_sum3A_52 = vector.multi_reduction <add>, %convert_element_type3A_40, %reduce_sum3A_51 [0] : vector<2048x8xf32> to vector<8xf32>
    %broadcast_in_dim3A_53 = vector.shape_cast %reduce_sum3A_52 : vector<8xf32> to vector<1x8xf32>
    %reduce_sum3A_54 = arith.constant dense<0.000000e+00> : vector<8xf32>
    %reduce_sum3A_55 = vector.multi_reduction <add>, %convert_element_type3A_44, %reduce_sum3A_54 [0] : vector<2048x8xf32> to vector<8xf32>
    %broadcast_in_dim3A_56 = vector.shape_cast %reduce_sum3A_55 : vector<8xf32> to vector<1x8xf32>
    %add3A_57 = arith.addf %broadcast_in_dim3A_53, %broadcast_in_dim3A_56 : vector<1x8xf32>
    %div3A_58 = arith.constant 4.096000e+03 : f32
    %div3A_59 = vector.broadcast %div3A_58 : f32 to vector<1x8xf32>
    %div3A_60 = arith.divf %add3A_57, %div3A_59 : vector<1x8xf32>
    %mul3A = arith.mulf %div3A_50, %div3A_60 : vector<1x8xf32>
    %reduce_sum3A_61 = vector.shape_cast %mul3A : vector<1x8xf32> to vector<1x1x8xf32>
    %reduce_sum3A_62 = arith.constant dense<0.000000e+00> : vector<1xf32>
    %reduce_sum3A_63 = vector.multi_reduction <add>, %reduce_sum3A_61, %reduce_sum3A_62 [1, 2] : vector<1x1x8xf32> to vector<1xf32>
    %reduce_sum3A_64 = vector.shape_cast %reduce_sum3A_63 : vector<1xf32> to vector<1x1x1xf32>
    %reduce_sum3A_65 = vector.extract %reduce_sum3A_64[0, 0, 0] : f32 from vector<1x1x1xf32>
    %broadcast_in_dim3A_66 = vector.broadcast %reduce_sum3A_65 : f32 to vector<1x1xf32>
    %mul3A_67 = arith.constant 8.000000e+00 : f32
    %mul3A_68 = vector.broadcast %mul3A_67 : f32 to vector<1x1xf32>
    %mul3A_69 = arith.mulf %mul3A_68, %broadcast_in_dim3A_66 : vector<1x1xf32>
    %swap3A_70 = arith.constant 0 : index
    %swap3A_71 = arith.constant 0 : index
    %swap3A_72 = vector.load %arg10[%swap3A_70, %swap3A_71] : memref<1x1xf32, #tpu.memory_space<vmem>>, vector<1x1xf32>
    tpu.vector_store %arg10[%swap3A_70, %swap3A_71], %mul3A_69 {strides = array<i32>} : memref<1x1xf32, #tpu.memory_space<vmem>>, vector<1x1xf32>,
    %iota3A_73 = tpu.iota {dimensions = array<i32: 0>} : vector<2048x2048xi32>
    %iota3A_74 = tpu.iota {dimensions = array<i32: 1>} : vector<2048x2048xi32>
    %lt3A = arith.cmpi slt, %iota3A_74, %iota3A_73 : vector<2048x2048xi32>
    %convert_element_type3A_75 = arith.extui %lt3A : vector<2048x2048xi1> to vector<2048x2048xi32>
    %convert_element_type3A_76 = arith.sitofp %convert_element_type3A_75 : vector<2048x2048xi32> to vector<2048x2048xf32>
    %convert_element_type3A_77 = arith.truncf %convert_element_type3A_76 : vector<2048x2048xf32> to vector<2048x2048xbf16>
    %concatenate3A_78 = tpu.concatenate %convert_element_type3A_40, %convert_element_type3A_44 in 1 : vector<2048x8xf32>, vector<2048x8xf32> -> vector<2048x16xf32>
    %convert_element_type3A_79 = arith.truncf %concatenate3A_78 : vector<2048x16xf32> to vector<2048x16xbf16>
    %dot_general3A_80 = arith.constant dense<0.000000e+00> : vector<2048x16xf32>
    %dot_general3A_81 = tpu.matmul %convert_element_type3A_77, %convert_element_type3A_79, %dot_general3A_80 {dimension_numbers = #tpu.dot_dimension_numbers<[1], [0], [0], [1], [0, 0, 1, 1], [], []>, transpose_lhs_hint = false} : vector<2048x2048xbf16>, vector<2048x16xbf16>, vector<2048x16xf32> -> vector<2048x16xf32>
    %slice3A = vector.extract_strided_slice %dot_general3A_81 {offsets = [0, 0], sizes = [2048, 8], strides = [1, 1]} : vector<2048x16xf32> to vector<2048x8xf32>
    %slice3A_82 = vector.extract_strided_slice %dot_general3A_81 {offsets = [0, 8], sizes = [2048, 8], strides = [1, 1]} : vector<2048x16xf32> to vector<2048x8xf32>
    %iota3A_83 = tpu.iota {dimensions = array<i32: 0>} : vector<8x8xi32>
    %iota3A_84 = tpu.iota {dimensions = array<i32: 1>} : vector<8x8xi32>
    %lt3A_85 = arith.cmpi slt, %iota3A_83, %iota3A_84 : vector<8x8xi32>
    %convert_element_type3A_86 = arith.extui %lt3A_85 : vector<8x8xi1> to vector<8x8xi32>
    %convert_element_type3A_87 = arith.sitofp %convert_element_type3A_86 : vector<8x8xi32> to vector<8x8xf32>
    %le3A = arith.cmpi sle, %iota3A_83, %iota3A_84 : vector<8x8xi32>
    %convert_element_type3A_88 = arith.extui %le3A : vector<8x8xi1> to vector<8x8xi32>
    %convert_element_type3A_89 = arith.sitofp %convert_element_type3A_88 : vector<8x8xi32> to vector<8x8xf32>
    %dot_general3A_90 = arith.constant dense<0.000000e+00> : vector<1x8xf32>
    %dot_general3A_91 = tpu.matmul %add3A_57, %convert_element_type3A_87, %dot_general3A_90 {dimension_numbers = #tpu.dot_dimension_numbers<[1], [0], [0], [1], [0, 0, 1, 1], [], []>, precision = #tpu.contract_precision<fp32>, transpose_lhs_hint = false} : vector<1x8xf32>, vector<8x8xf32>, vector<1x8xf32> -> vector<1x8xf32>
    %add3A_92 = arith.addf %dot_general3A_91, %add3A_57 : vector<1x8xf32>
    %convert_element_type3A_93 = arith.fptosi %dot_general3A_91 : vector<1x8xf32> to vector<1x8xi32>
    %swap3A_94 = arith.constant 0 : index
    %swap3A_95 = arith.constant 0 : index
    %swap3A_96 = vector.load %arg8[%swap3A_94, %swap3A_95] : memref<1x8xi32, #tpu.memory_space<vmem>>, vector<1x8xi32>
    tpu.vector_store %arg8[%swap3A_94, %swap3A_95], %convert_element_type3A_93 {strides = array<i32>} : memref<1x8xi32, #tpu.memory_space<vmem>>, vector<1x8xi32>,
    %convert_element_type3A_97 = arith.fptosi %add3A_92 : vector<1x8xf32> to vector<1x8xi32>
    %swap3A_98 = arith.constant 0 : index
    %swap3A_99 = arith.constant 0 : index
    %swap3A_100 = vector.load %arg9[%swap3A_98, %swap3A_99] : memref<1x8xi32, #tpu.memory_space<vmem>>, vector<1x8xi32>
    tpu.vector_store %arg9[%swap3A_98, %swap3A_99], %convert_element_type3A_97 {strides = array<i32>} : memref<1x8xi32, #tpu.memory_space<vmem>>, vector<1x8xi32>,
    %add3A_101 = vector.broadcast %dot_general3A_91 : vector<1x8xf32> to vector<2048x8xf32>
    %add3A_102 = arith.addf %add3A_101, %slice3A : vector<2048x8xf32>
    %mul3A_103 = arith.mulf %convert_element_type3A_40, %add3A_102 : vector<2048x8xf32>
    %reduce_sum3A_104 = arith.constant dense<0.000000e+00> : vector<2048xf32>
    %reduce_sum3A_105 = vector.multi_reduction <add>, %mul3A_103, %reduce_sum3A_104 [1] : vector<2048x8xf32> to vector<2048xf32>
    %broadcast_in_dim3A_106 = vector.shape_cast %reduce_sum3A_105 : vector<2048xf32> to vector<2048x1xf32>
    %add3A_107 = arith.addf %dot_general3A_91, %broadcast_in_dim3A_53 : vector<1x8xf32>
    %add3A_108 = vector.broadcast %add3A_107 : vector<1x8xf32> to vector<2048x8xf32>
    %add3A_109 = arith.addf %add3A_108, %slice3A_82 : vector<2048x8xf32>
    %mul3A_110 = arith.mulf %convert_element_type3A_44, %add3A_109 : vector<2048x8xf32>
    %reduce_sum3A_111 = arith.constant dense<0.000000e+00> : vector<2048xf32>
    %reduce_sum3A_112 = vector.multi_reduction <add>, %mul3A_110, %reduce_sum3A_111 [1] : vector<2048x8xf32> to vector<2048xf32>
    %broadcast_in_dim3A_113 = vector.shape_cast %reduce_sum3A_112 : vector<2048xf32> to vector<2048x1xf32>
    %concatenate3A_114 = tpu.concatenate %broadcast_in_dim3A_106, %broadcast_in_dim3A_113 in 0 : vector<2048x1xf32>, vector<2048x1xf32> -> vector<4096x1xf32>
    %convert_element_type3A_115 = arith.fptosi %concatenate3A_114 : vector<4096x1xf32> to vector<4096x1xi32>
    %swap3A_116 = arith.constant 0 : index
    %swap3A_117 = arith.constant 0 : index
    %swap3A_118 = vector.load %arg3[%swap3A_116, %swap3A_117] : memref<4096x1xi32, #tpu.memory_space<vmem>>, vector<4096x1xi32>
    tpu.vector_store %arg3[%swap3A_116, %swap3A_117], %convert_element_type3A_115 {strides = array<i32>} : memref<4096x1xi32, #tpu.memory_space<vmem>>, vector<4096x1xi32>,
    %add3A_119 = arith.constant 4096 : i32
    %add3A_120 = vector.broadcast %add3A_119 : i32 to vector<4096x1xi32>
    %add3A_121 = arith.addi %convert_element_type3A_115, %add3A_120 : vector<4096x1xi32>
    %swap3A_122 = arith.constant 0 : index
    %swap3A_123 = arith.constant 0 : index
    %swap3A_124 = vector.load %arg4[%swap3A_122, %swap3A_123] : memref<4096x1xi32, #tpu.memory_space<vmem>>, vector<4096x1xi32>
    tpu.vector_store %arg4[%swap3A_122, %swap3A_123], %add3A_121 {strides = array<i32>} : memref<4096x1xi32, #tpu.memory_space<vmem>>, vector<4096x1xi32>,
    %convert_element_type3A_125 = arith.fptosi %dot_general3A_91 : vector<1x8xf32> to vector<1x8xi32>
    %convert_element_type3A_126 = arith.fptosi %add3A_92 : vector<1x8xf32> to vector<1x8xi32>
    %shift_right_logical3A = arith.constant 8 : i32
    %shift_right_logical3A_127 = vector.broadcast %shift_right_logical3A : i32 to vector<1x8xi32>
    %shift_right_logical3A_128 = arith.shrui %convert_element_type3A_125, %shift_right_logical3A_127 : vector<1x8xi32>
    %sub3A_129 = arith.constant 1 : i32
    %sub3A_130 = vector.broadcast %sub3A_129 : i32 to vector<1x8xi32>
    %sub3A_131 = arith.subi %convert_element_type3A_126, %sub3A_130 : vector<1x8xi32>
    %shift_right_logical3A_132 = arith.constant 8 : i32
    %shift_right_logical3A_133 = vector.broadcast %shift_right_logical3A_132 : i32 to vector<1x8xi32>
    %shift_right_logical3A_134 = arith.shrui %sub3A_131, %shift_right_logical3A_133 : vector<1x8xi32>
    %gt3A = arith.cmpi sgt, %convert_element_type3A_126, %convert_element_type3A_125 : vector<1x8xi32>
    %sub3A_135 = arith.subi %shift_right_logical3A_134, %shift_right_logical3A_128 : vector<1x8xi32>
    %add3A_136 = arith.constant 1 : i32
    %add3A_137 = vector.broadcast %add3A_136 : i32 to vector<1x8xi32>
    %add3A_138 = arith.addi %sub3A_135, %add3A_137 : vector<1x8xi32>
    %jit3A_139 = arith.constant 0 : i32
    %broadcast_in_dim3A_140 = vector.broadcast %jit3A_139 : i32 to vector<1x8xi32>
    %select_n3A_141 = arith.select %gt3A, %add3A_138, %broadcast_in_dim3A_140 : vector<1x8xi1>, vector<1x8xi32>
    %convert_element_type3A_142 = arith.sitofp %select_n3A_141 : vector<1x8xi32> to vector<1x8xf32>
    %dot_general3A_143 = arith.constant dense<0.000000e+00> : vector<1x8xf32>
    %dot_general3A_144 = tpu.matmul %convert_element_type3A_142, %convert_element_type3A_89, %dot_general3A_143 {dimension_numbers = #tpu.dot_dimension_numbers<[1], [0], [0], [1], [0, 0, 1, 1], [], []>, precision = #tpu.contract_precision<fp32>, transpose_lhs_hint = false} : vector<1x8xf32>, vector<8x8xf32>, vector<1x8xf32> -> vector<1x8xf32>
    %convert_element_type3A_145 = arith.fptosi %dot_general3A_144 : vector<1x8xf32> to vector<1x8xi32>
    %sub3A_146 = arith.subi %convert_element_type3A_145, %select_n3A_141 : vector<1x8xi32>
    %slice3A_147 = vector.extract_strided_slice %convert_element_type3A_145 {offsets = [0, 7], sizes = [1, 1], strides = [1, 1]} : vector<1x8xi32> to vector<1x1xi32>
    %iota3A_148 = tpu.iota {dimensions = array<i32: 0>} : vector<24x8xi32>
    %le3A_149 = vector.broadcast %convert_element_type3A_145 : vector<1x8xi32> to vector<24x8xi32>
    %le3A_150 = arith.cmpi sle, %le3A_149, %iota3A_148 : vector<24x8xi32>
    %convert_element_type3A_151 = arith.extui %le3A_150 : vector<24x8xi1> to vector<24x8xi32>
    %reduce_sum3A_152 = arith.constant dense<0> : vector<24xi32>
    %reduce_sum3A_153 = vector.multi_reduction <add>, %convert_element_type3A_151, %reduce_sum3A_152 [1] : vector<24x8xi32> to vector<24xi32>
    %broadcast_in_dim3A_154 = vector.shape_cast %reduce_sum3A_153 : vector<24xi32> to vector<24x1xi32>
    %min3A = arith.constant 7 : i32
    %min3A_155 = vector.broadcast %min3A : i32 to vector<24x1xi32>
    %min3A_156 = arith.minsi %broadcast_in_dim3A_154, %min3A_155 : vector<24x1xi32>
    %iota3A_157 = tpu.iota {dimensions = array<i32: 1>} : vector<24x8xi32>
    %eq3A_158 = vector.broadcast %min3A_156 : vector<24x1xi32> to vector<24x8xi32>
    %eq3A_159 = arith.cmpi eq, %iota3A_157, %eq3A_158 : vector<24x8xi32>
    %convert_element_type3A_160 = arith.extui %eq3A_159 : vector<24x8xi1> to vector<24x8xi32>
    %mul3A_161 = vector.broadcast %shift_right_logical3A_128 : vector<1x8xi32> to vector<24x8xi32>
    %mul3A_162 = arith.muli %convert_element_type3A_160, %mul3A_161 : vector<24x8xi32>
    %reduce_sum3A_163 = arith.constant dense<0> : vector<24xi32>
    %reduce_sum3A_164 = vector.multi_reduction <add>, %mul3A_162, %reduce_sum3A_163 [1] : vector<24x8xi32> to vector<24xi32>
    %broadcast_in_dim3A_165 = vector.shape_cast %reduce_sum3A_164 : vector<24xi32> to vector<24x1xi32>
    %mul3A_166 = vector.broadcast %sub3A_146 : vector<1x8xi32> to vector<24x8xi32>
    %mul3A_167 = arith.muli %convert_element_type3A_160, %mul3A_166 : vector<24x8xi32>
    %reduce_sum3A_168 = arith.constant dense<0> : vector<24xi32>
    %reduce_sum3A_169 = vector.multi_reduction <add>, %mul3A_167, %reduce_sum3A_168 [1] : vector<24x8xi32> to vector<24xi32>
    %broadcast_in_dim3A_170 = vector.shape_cast %reduce_sum3A_169 : vector<24xi32> to vector<24x1xi32>
    %iota3A_171 = tpu.iota {dimensions = array<i32: 0>} : vector<24x1xi32>
    %sub3A_172 = arith.subi %iota3A_171, %broadcast_in_dim3A_170 : vector<24x1xi32>
    %add3A_173 = arith.addi %broadcast_in_dim3A_165, %sub3A_172 : vector<24x1xi32>
    %jit3A_174 = arith.constant 0 : i32
    %jit3A_175 = arith.constant 15 : i32
    %max3A = vector.broadcast %jit3A_174 : i32 to vector<24x1xi32>
    %max3A_176 = arith.maxsi %max3A, %add3A_173 : vector<24x1xi32>
    %min3A_177 = vector.broadcast %jit3A_175 : i32 to vector<24x1xi32>
    %min3A_178 = arith.minsi %min3A_177, %max3A_176 : vector<24x1xi32>
    %swap3A_179 = arith.constant 0 : index
    %swap3A_180 = arith.constant 0 : index
    %swap3A_181 = vector.load %arg5[%swap3A_179, %swap3A_180] : memref<24x1xi32, #tpu.memory_space<vmem>>, vector<24x1xi32>
    tpu.vector_store %arg5[%swap3A_179, %swap3A_180], %min3A_156 {strides = array<i32>} : memref<24x1xi32, #tpu.memory_space<vmem>>, vector<24x1xi32>,
    %swap3A_182 = arith.constant 0 : index
    %swap3A_183 = arith.constant 0 : index
    %swap3A_184 = vector.load %arg6[%swap3A_182, %swap3A_183] : memref<24x1xi32, #tpu.memory_space<vmem>>, vector<24x1xi32>
    tpu.vector_store %arg6[%swap3A_182, %swap3A_183], %min3A_178 {strides = array<i32>} : memref<24x1xi32, #tpu.memory_space<vmem>>, vector<24x1xi32>,
    %lt3A_185 = vector.broadcast %slice3A_147 : vector<1x1xi32> to vector<24x1xi32>
    %lt3A_186 = arith.cmpi slt, %iota3A_171, %lt3A_185 : vector<24x1xi32>
    %convert_element_type3A_187 = arith.extui %lt3A_186 : vector<24x1xi1> to vector<24x1xi32>
    %swap3A_188 = arith.constant 0 : index
    %swap3A_189 = arith.constant 0 : index
    %swap3A_190 = vector.load %arg7[%swap3A_188, %swap3A_189] : memref<24x1xi32, #tpu.memory_space<vmem>>, vector<24x1xi32>
    tpu.vector_store %arg7[%swap3A_188, %swap3A_189], %convert_element_type3A_187 {strides = array<i32>} : memref<24x1xi32, #tpu.memory_space<vmem>>, vector<24x1xi32>,
    return
  }
}

module attributes {stable_mosaic.version = 14 : i64} {
  func.func @_gemm_body(%arg0: i32, %arg1: i32, %arg2: memref<24xi32, #tpu.memory_space<smem>>, %arg3: memref<24xi32, #tpu.memory_space<smem>>, %arg4: memref<24xi32, #tpu.memory_space<smem>>, %arg5: memref<24xi32, #tpu.memory_space<smem>>, %arg6: memref<8xi32, #tpu.memory_space<smem>>, %arg7: memref<8xi32, #tpu.memory_space<smem>>, %arg8: memref<256x768xf32, #tpu.memory_space<vmem>>, %arg9: memref<1x768x1536xf32, #tpu.memory_space<vmem>>, %arg10: memref<1x768x1536xf32, #tpu.memory_space<vmem>>, %arg11: memref<1x1536x768xf32, #tpu.memory_space<vmem>>, %arg12: memref<1x256x768xf32, #tpu.memory_space<vmem>>) attributes {dimension_semantics = [#tpu.dimension_semantics<arbitrary>, #tpu.dimension_semantics<arbitrary>], iteration_bounds = array<i64: 2, 24>, scalar_prefetch = 6 : i64, scratch_operands = 0 : i64, tpu.core_type = #tpu.core_type<tc>, window_params = [{transform_indices = @transform_0, window_bounds = array<i64: 256, 768>}, {transform_indices = @transform_1, window_bounds = array<i64: 1, 768, 1536>}, {transform_indices = @transform_2, window_bounds = array<i64: 1, 768, 1536>}, {transform_indices = @transform_3, window_bounds = array<i64: 1, 1536, 768>}, {transform_indices = @transform_4, window_bounds = array<i64: 1, 256, 768>}]} {
    %get3A = arith.index_cast %arg1 : i32 to index
    %get3A_0 = memref.load %arg2[%get3A] : memref<24xi32, #tpu.memory_space<smem>>
    %get3A_1 = arith.index_cast %arg1 : i32 to index
    %get3A_2 = memref.load %arg3[%get3A_1] : memref<24xi32, #tpu.memory_space<smem>>
    %get3A_3 = arith.index_cast %arg1 : i32 to index
    %get3A_4 = memref.load %arg4[%get3A_3] : memref<24xi32, #tpu.memory_space<smem>>
    %eq3A = arith.constant 1 : i32
    %eq3A_5 = arith.cmpi eq, %get3A_4, %eq3A : i32
    %convert_element_type3A = arith.extui %eq3A_5 : i1 to i32
    %cond3A = arith.constant 0 : i32
    %cond3A_6 = arith.cmpi ne, %convert_element_type3A, %cond3A : i32
    scf.if %cond3A_6 {
      %get3A_7 = arith.constant 0 : index
      %get3A_8 = arith.constant 0 : index
      %get3A_9 = vector.load %arg8[%get3A_7, %get3A_8] : memref<256x768xf32, #tpu.memory_space<vmem>>, vector<256x768xf32>
      %get3A_10 = arith.constant 0 : index
      %get3A_11 = arith.constant 0 : index
      %get3A_12 = arith.constant 0 : index
      %get3A_13 = vector.load %arg9[%get3A_10, %get3A_11, %get3A_12] : memref<1x768x1536xf32, #tpu.memory_space<vmem>>, vector<1x768x1536xf32>
      %get3A_14 = vector.shape_cast %get3A_13 : vector<1x768x1536xf32> to vector<768x1536xf32>
      %dot_general3A = arith.constant dense<0.000000e+00> : vector<256x1536xf32>
      %dot_general3A_15 = tpu.matmul %get3A_9, %get3A_14, %dot_general3A {dimension_numbers = #tpu.dot_dimension_numbers<[1], [0], [0], [1], [0, 0, 1, 1], [], []>, transpose_lhs_hint = false} : vector<256x768xf32>, vector<768x1536xf32>, vector<256x1536xf32> -> vector<256x1536xf32>
      %get3A_16 = arith.constant 0 : index
      %get3A_17 = arith.constant 0 : index
      %get3A_18 = arith.constant 0 : index
      %get3A_19 = vector.load %arg10[%get3A_16, %get3A_17, %get3A_18] : memref<1x768x1536xf32, #tpu.memory_space<vmem>>, vector<1x768x1536xf32>
      %get3A_20 = vector.shape_cast %get3A_19 : vector<1x768x1536xf32> to vector<768x1536xf32>
      %dot_general3A_21 = arith.constant dense<0.000000e+00> : vector<256x1536xf32>
      %dot_general3A_22 = tpu.matmul %get3A_9, %get3A_20, %dot_general3A_21 {dimension_numbers = #tpu.dot_dimension_numbers<[1], [0], [0], [1], [0, 0, 1, 1], [], []>, transpose_lhs_hint = false} : vector<256x768xf32>, vector<768x1536xf32>, vector<256x1536xf32> -> vector<256x1536xf32>
      %neg3A = arith.constant 0.000000e+00 : f32
      %neg3A_23 = vector.broadcast %neg3A : f32 to vector<256x1536xf32>
      %neg3A_24 = arith.subf %neg3A_23, %dot_general3A_15 : vector<256x1536xf32>
      %exp3A = math.exp %neg3A_24 : vector<256x1536xf32>
      %add3A = arith.constant 1.000000e+00 : f32
      %add3A_25 = vector.broadcast %add3A : f32 to vector<256x1536xf32>
      %add3A_26 = arith.addf %add3A_25, %exp3A : vector<256x1536xf32>
      %div3A = arith.divf %dot_general3A_15, %add3A_26 : vector<256x1536xf32>
      %mul3A = arith.mulf %div3A, %dot_general3A_22 : vector<256x1536xf32>
      %get3A_27 = arith.constant 0 : index
      %get3A_28 = arith.constant 0 : index
      %get3A_29 = arith.constant 0 : index
      %get3A_30 = vector.load %arg11[%get3A_27, %get3A_28, %get3A_29] : memref<1x1536x768xf32, #tpu.memory_space<vmem>>, vector<1x1536x768xf32>
      %get3A_31 = vector.shape_cast %get3A_30 : vector<1x1536x768xf32> to vector<1536x768xf32>
      %dot_general3A_32 = arith.constant dense<0.000000e+00> : vector<256x768xf32>
      %dot_general3A_33 = tpu.matmul %mul3A, %get3A_31, %dot_general3A_32 {dimension_numbers = #tpu.dot_dimension_numbers<[1], [0], [0], [1], [0, 0, 1, 1], [], []>, transpose_lhs_hint = false} : vector<256x1536xf32>, vector<1536x768xf32>, vector<256x768xf32> -> vector<256x768xf32>
      %mul3A_34 = arith.constant 256 : i32
      %mul3A_35 = arith.muli %get3A_2, %mul3A_34 : i32
      %iota3A = tpu.iota {dimensions = array<i32: 0>} : vector<256x1xi32>
      %add3A_36 = vector.broadcast %mul3A_35 : i32 to vector<256x1xi32>
      %add3A_37 = arith.addi %add3A_36, %iota3A : vector<256x1xi32>
      %get3A_38 = arith.index_cast %get3A_0 : i32 to index
      %get3A_39 = memref.load %arg6[%get3A_38] : memref<8xi32, #tpu.memory_space<smem>>
      %ge3A = vector.broadcast %get3A_39 : i32 to vector<256x1xi32>
      %ge3A_40 = arith.cmpi sge, %add3A_37, %ge3A : vector<256x1xi32>
      %get3A_41 = arith.index_cast %get3A_0 : i32 to index
      %get3A_42 = memref.load %arg7[%get3A_41] : memref<8xi32, #tpu.memory_space<smem>>
      %lt3A = vector.broadcast %get3A_42 : i32 to vector<256x1xi32>
      %lt3A_43 = arith.cmpi slt, %add3A_37, %lt3A : vector<256x1xi32>
      %and3A = arith.andi %ge3A_40, %lt3A_43 : vector<256x1xi1>
      %jit3A = arith.constant 0.000000e+00 : f32
      %broadcast_in_dim3A = vector.shape_cast %and3A : vector<256x1xi1> to vector<256x1xi1>
      %broadcast_in_dim3A_44 = vector.broadcast %broadcast_in_dim3A : vector<256x1xi1> to vector<256x768xi1>
      %broadcast_in_dim3A_45 = vector.broadcast %jit3A : f32 to vector<256x768xf32>
      %select_n3A = arith.select %broadcast_in_dim3A_44, %dot_general3A_33, %broadcast_in_dim3A_45 : vector<256x768xi1>, vector<256x768xf32>
      %get3A_46 = arith.index_cast %arg1 : i32 to index
      %get3A_47 = memref.load %arg5[%get3A_46] : memref<24xi32, #tpu.memory_space<smem>>
      %eq3A_48 = arith.constant 1 : i32
      %eq3A_49 = arith.cmpi eq, %get3A_47, %eq3A_48 : i32
      %convert_element_type3A_50 = arith.extui %eq3A_49 : i1 to i32
      %cond3A_51 = arith.constant 0 : i32
      %cond3A_52 = arith.cmpi ne, %convert_element_type3A_50, %cond3A_51 : i32
      scf.if %cond3A_52 {
        %swap3A = arith.constant 0 : index
        %swap3A_60 = arith.constant 0 : index
        %swap3A_61 = arith.constant 0 : index
        %swap3A_62 = vector.load %arg12[%swap3A, %swap3A_60, %swap3A_61] : memref<1x256x768xf32, #tpu.memory_space<vmem>>, vector<1x256x768xf32>
        %swap3A_63 = vector.shape_cast %swap3A_62 : vector<1x256x768xf32> to vector<256x768xf32>
        %swap3A_64 = vector.shape_cast %select_n3A : vector<256x768xf32> to vector<1x256x768xf32>
        tpu.vector_store %arg12[%swap3A, %swap3A_60, %swap3A_61], %swap3A_64 {strides = array<i32>} : memref<1x256x768xf32, #tpu.memory_space<vmem>>, vector<1x256x768xf32>,
      } else {
      }
      %get3A_53 = arith.index_cast %arg1 : i32 to index
      %get3A_54 = memref.load %arg5[%get3A_53] : memref<24xi32, #tpu.memory_space<smem>>
      %eq3A_55 = arith.constant 0 : i32
      %eq3A_56 = arith.cmpi eq, %get3A_54, %eq3A_55 : i32
      %convert_element_type3A_57 = arith.extui %eq3A_56 : i1 to i32
      %cond3A_58 = arith.constant 0 : i32
      %cond3A_59 = arith.cmpi ne, %convert_element_type3A_57, %cond3A_58 : i32
      scf.if %cond3A_59 {
        %get3A_60 = arith.constant 0 : index
        %get3A_61 = arith.constant 0 : index
        %get3A_62 = arith.constant 0 : index
        %get3A_63 = vector.load %arg12[%get3A_60, %get3A_61, %get3A_62] : memref<1x256x768xf32, #tpu.memory_space<vmem>>, vector<1x256x768xf32>
        %get3A_64 = vector.shape_cast %get3A_63 : vector<1x256x768xf32> to vector<256x768xf32>
        %add3A_65 = arith.addf %get3A_64, %select_n3A : vector<256x768xf32>
        %swap3A = arith.constant 0 : index
        %swap3A_66 = arith.constant 0 : index
        %swap3A_67 = arith.constant 0 : index
        %swap3A_68 = vector.load %arg12[%swap3A, %swap3A_66, %swap3A_67] : memref<1x256x768xf32, #tpu.memory_space<vmem>>, vector<1x256x768xf32>
        %swap3A_69 = vector.shape_cast %swap3A_68 : vector<1x256x768xf32> to vector<256x768xf32>
        %swap3A_70 = vector.shape_cast %add3A_65 : vector<256x768xf32> to vector<1x256x768xf32>
        tpu.vector_store %arg12[%swap3A, %swap3A_66, %swap3A_67], %swap3A_70 {strides = array<i32>} : memref<1x256x768xf32, #tpu.memory_space<vmem>>, vector<1x256x768xf32>,
      } else {
      }
    } else {
    }
    return
  }
  func.func @transform_0(%arg0: i32, %arg1: i32, %arg2: memref<24xi32, #tpu.memory_space<smem>>, %arg3: memref<24xi32, #tpu.memory_space<smem>>, %arg4: memref<24xi32, #tpu.memory_space<smem>>, %arg5: memref<24xi32, #tpu.memory_space<smem>>, %arg6: memref<8xi32, #tpu.memory_space<smem>>, %arg7: memref<8xi32, #tpu.memory_space<smem>>) -> (i32, i32) {
    %get3A = arith.index_cast %arg1 : i32 to index
    %get3A_0 = memref.load %arg3[%get3A] : memref<24xi32, #tpu.memory_space<smem>>
    %c0_i32 = arith.constant 0 : i32
    %c0_i32_1 = arith.constant 0 : i32
    return %get3A_0, %c0_i32 : i32, i32
  }
  func.func @transform_1(%arg0: i32, %arg1: i32, %arg2: memref<24xi32, #tpu.memory_space<smem>>, %arg3: memref<24xi32, #tpu.memory_space<smem>>, %arg4: memref<24xi32, #tpu.memory_space<smem>>, %arg5: memref<24xi32, #tpu.memory_space<smem>>, %arg6: memref<8xi32, #tpu.memory_space<smem>>, %arg7: memref<8xi32, #tpu.memory_space<smem>>) -> (i32, i32, i32) {
    %get3A = arith.index_cast %arg1 : i32 to index
    %get3A_0 = memref.load %arg2[%get3A] : memref<24xi32, #tpu.memory_space<smem>>
    %c0_i32 = arith.constant 0 : i32
    %c0_i32_1 = arith.constant 0 : i32
    return %get3A_0, %c0_i32, %arg0 : i32, i32, i32
  }
  func.func @transform_2(%arg0: i32, %arg1: i32, %arg2: memref<24xi32, #tpu.memory_space<smem>>, %arg3: memref<24xi32, #tpu.memory_space<smem>>, %arg4: memref<24xi32, #tpu.memory_space<smem>>, %arg5: memref<24xi32, #tpu.memory_space<smem>>, %arg6: memref<8xi32, #tpu.memory_space<smem>>, %arg7: memref<8xi32, #tpu.memory_space<smem>>) -> (i32, i32, i32) {
    %get3A = arith.index_cast %arg1 : i32 to index
    %get3A_0 = memref.load %arg2[%get3A] : memref<24xi32, #tpu.memory_space<smem>>
    %c0_i32 = arith.constant 0 : i32
    %c0_i32_1 = arith.constant 0 : i32
    return %get3A_0, %c0_i32, %arg0 : i32, i32, i32
  }
  func.func @transform_3(%arg0: i32, %arg1: i32, %arg2: memref<24xi32, #tpu.memory_space<smem>>, %arg3: memref<24xi32, #tpu.memory_space<smem>>, %arg4: memref<24xi32, #tpu.memory_space<smem>>, %arg5: memref<24xi32, #tpu.memory_space<smem>>, %arg6: memref<8xi32, #tpu.memory_space<smem>>, %arg7: memref<8xi32, #tpu.memory_space<smem>>) -> (i32, i32, i32) {
    %get3A = arith.index_cast %arg1 : i32 to index
    %get3A_0 = memref.load %arg2[%get3A] : memref<24xi32, #tpu.memory_space<smem>>
    %c0_i32 = arith.constant 0 : i32
    %c0_i32_1 = arith.constant 0 : i32
    return %get3A_0, %arg0, %c0_i32 : i32, i32, i32
  }
  func.func @transform_4(%arg0: i32, %arg1: i32, %arg2: memref<24xi32, #tpu.memory_space<smem>>, %arg3: memref<24xi32, #tpu.memory_space<smem>>, %arg4: memref<24xi32, #tpu.memory_space<smem>>, %arg5: memref<24xi32, #tpu.memory_space<smem>>, %arg6: memref<8xi32, #tpu.memory_space<smem>>, %arg7: memref<8xi32, #tpu.memory_space<smem>>) -> (i32, i32, i32) {
    %get3A = arith.index_cast %arg1 : i32 to index
    %get3A_0 = memref.load %arg3[%get3A] : memref<24xi32, #tpu.memory_space<smem>>
    %c0_i32 = arith.constant 0 : i32
    %c0_i32_1 = arith.constant 0 : i32
    return %arg0, %get3A_0, %c0_i32 : i32, i32, i32
  }
}

module attributes {stable_mosaic.version = 14 : i64} {
  func.func @_combine_body(%arg0: i32, %arg1: memref<512x2xf32, #tpu.memory_space<vmem>>, %arg2: memref<1x512x768xf32, #tpu.memory_space<vmem>>, %arg3: memref<1x512x768xf32, #tpu.memory_space<vmem>>, %arg4: memref<1x512x768xf32, #tpu.memory_space<vmem>>, %arg5: memref<1x512x768xf32, #tpu.memory_space<vmem>>, %arg6: memref<512x768xf32, #tpu.memory_space<vmem>>) attributes {dimension_semantics = [#tpu.dimension_semantics<arbitrary>], iteration_bounds = array<i64: 4>, scalar_prefetch = 0 : i64, scratch_operands = 0 : i64, tpu.core_type = #tpu.core_type<tc>, window_params = [{transform_indices = @transform_0, window_bounds = array<i64: 512, 2>}, {transform_indices = @transform_1, window_bounds = array<i64: 1, 512, 768>}, {transform_indices = @transform_2, window_bounds = array<i64: 1, 512, 768>}, {transform_indices = @transform_3, window_bounds = array<i64: 1, 512, 768>}, {transform_indices = @transform_4, window_bounds = array<i64: 1, 512, 768>}, {transform_indices = @transform_5, window_bounds = array<i64: 512, 768>}]} {
    %iota3A = tpu.iota {dimensions = array<i32: 1>} : vector<512x2xi32>
    %get3A = arith.constant 0 : index
    %get3A_0 = arith.constant 0 : index
    %get3A_1 = vector.load %arg1[%get3A, %get3A_0] : memref<512x2xf32, #tpu.memory_space<vmem>>, vector<512x2xf32>
    %eq3A = arith.constant 0 : i32
    %eq3A_2 = vector.broadcast %eq3A : i32 to vector<512x2xi32>
    %eq3A_3 = arith.cmpi eq, %iota3A, %eq3A_2 : vector<512x2xi32>
    %jit3A = arith.constant 0.000000e+00 : f32
    %broadcast_in_dim3A = vector.broadcast %jit3A : f32 to vector<512x2xf32>
    %select_n3A = arith.select %eq3A_3, %get3A_1, %broadcast_in_dim3A : vector<512x2xi1>, vector<512x2xf32>
    %reduce_sum3A = arith.constant dense<0.000000e+00> : vector<512xf32>
    %reduce_sum3A_4 = vector.multi_reduction <add>, %select_n3A, %reduce_sum3A [1] : vector<512x2xf32> to vector<512xf32>
    %broadcast_in_dim3A_5 = vector.shape_cast %reduce_sum3A_4 : vector<512xf32> to vector<512x1xf32>
    %eq3A_6 = arith.constant 1 : i32
    %eq3A_7 = vector.broadcast %eq3A_6 : i32 to vector<512x2xi32>
    %eq3A_8 = arith.cmpi eq, %iota3A, %eq3A_7 : vector<512x2xi32>
    %jit3A_9 = arith.constant 0.000000e+00 : f32
    %broadcast_in_dim3A_10 = vector.broadcast %jit3A_9 : f32 to vector<512x2xf32>
    %select_n3A_11 = arith.select %eq3A_8, %get3A_1, %broadcast_in_dim3A_10 : vector<512x2xi1>, vector<512x2xf32>
    %reduce_sum3A_12 = arith.constant dense<0.000000e+00> : vector<512xf32>
    %reduce_sum3A_13 = vector.multi_reduction <add>, %select_n3A_11, %reduce_sum3A_12 [1] : vector<512x2xf32> to vector<512xf32>
    %broadcast_in_dim3A_14 = vector.shape_cast %reduce_sum3A_13 : vector<512xf32> to vector<512x1xf32>
    %get3A_15 = arith.constant 0 : index
    %get3A_16 = arith.constant 0 : index
    %get3A_17 = arith.constant 0 : index
    %get3A_18 = vector.load %arg2[%get3A_15, %get3A_16, %get3A_17] : memref<1x512x768xf32, #tpu.memory_space<vmem>>, vector<1x512x768xf32>
    %get3A_19 = vector.shape_cast %get3A_18 : vector<1x512x768xf32> to vector<512x768xf32>
    %get3A_20 = arith.constant 0 : index
    %get3A_21 = arith.constant 0 : index
    %get3A_22 = arith.constant 0 : index
    %get3A_23 = vector.load %arg4[%get3A_20, %get3A_21, %get3A_22] : memref<1x512x768xf32, #tpu.memory_space<vmem>>, vector<1x512x768xf32>
    %get3A_24 = vector.shape_cast %get3A_23 : vector<1x512x768xf32> to vector<512x768xf32>
    %add3A = arith.addf %get3A_19, %get3A_24 : vector<512x768xf32>
    %mul3A = vector.broadcast %broadcast_in_dim3A_5 : vector<512x1xf32> to vector<512x768xf32>
    %mul3A_25 = arith.mulf %mul3A, %add3A : vector<512x768xf32>
    %get3A_26 = arith.constant 0 : index
    %get3A_27 = arith.constant 0 : index
    %get3A_28 = arith.constant 0 : index
    %get3A_29 = vector.load %arg3[%get3A_26, %get3A_27, %get3A_28] : memref<1x512x768xf32, #tpu.memory_space<vmem>>, vector<1x512x768xf32>
    %get3A_30 = vector.shape_cast %get3A_29 : vector<1x512x768xf32> to vector<512x768xf32>
    %get3A_31 = arith.constant 0 : index
    %get3A_32 = arith.constant 0 : index
    %get3A_33 = arith.constant 0 : index
    %get3A_34 = vector.load %arg5[%get3A_31, %get3A_32, %get3A_33] : memref<1x512x768xf32, #tpu.memory_space<vmem>>, vector<1x512x768xf32>
    %get3A_35 = vector.shape_cast %get3A_34 : vector<1x512x768xf32> to vector<512x768xf32>
    %add3A_36 = arith.addf %get3A_30, %get3A_35 : vector<512x768xf32>
    %mul3A_37 = vector.broadcast %broadcast_in_dim3A_14 : vector<512x1xf32> to vector<512x768xf32>
    %mul3A_38 = arith.mulf %mul3A_37, %add3A_36 : vector<512x768xf32>
    %add3A_39 = arith.addf %mul3A_25, %mul3A_38 : vector<512x768xf32>
    %swap3A = arith.constant 0 : index
    %swap3A_40 = arith.constant 0 : index
    %swap3A_41 = vector.load %arg6[%swap3A, %swap3A_40] : memref<512x768xf32, #tpu.memory_space<vmem>>, vector<512x768xf32>
    tpu.vector_store %arg6[%swap3A, %swap3A_40], %add3A_39 {strides = array<i32>} : memref<512x768xf32, #tpu.memory_space<vmem>>, vector<512x768xf32>,
    return
  }
  func.func @transform_0(%arg0: i32) -> (i32, i32) {
    %c0_i32 = arith.constant 0 : i32
    %c0_i32_0 = arith.constant 0 : i32
    return %arg0, %c0_i32 : i32, i32
  }
  func.func @transform_1(%arg0: i32) -> (i32, i32, i32) {
    %c0_i32 = arith.constant 0 : i32
    %c0_i32_0 = arith.constant 0 : i32
    %c0_i32_1 = arith.constant 0 : i32
    return %c0_i32, %arg0, %c0_i32_0 : i32, i32, i32
  }
  func.func @transform_2(%arg0: i32) -> (i32, i32, i32) {
    %add3A = arith.constant 4 : i32
    %add3A_0 = arith.addi %add3A, %arg0 : i32
    %c0_i32 = arith.constant 0 : i32
    %c0_i32_1 = arith.constant 0 : i32
    %c0_i32_2 = arith.constant 0 : i32
    return %c0_i32, %add3A_0, %c0_i32_1 : i32, i32, i32
  }
  func.func @transform_3(%arg0: i32) -> (i32, i32, i32) {
    %c1_i32 = arith.constant 1 : i32
    %c0_i32 = arith.constant 0 : i32
    %c0_i32_0 = arith.constant 0 : i32
    return %c1_i32, %arg0, %c0_i32 : i32, i32, i32
  }
  func.func @transform_4(%arg0: i32) -> (i32, i32, i32) {
    %add3A = arith.constant 4 : i32
    %add3A_0 = arith.addi %add3A, %arg0 : i32
    %c1_i32 = arith.constant 1 : i32
    %c0_i32 = arith.constant 0 : i32
    %c0_i32_1 = arith.constant 0 : i32
    return %c1_i32, %add3A_0, %c0_i32 : i32, i32, i32
  }
  func.func @transform_5(%arg0: i32) -> (i32, i32) {
    %c0_i32 = arith.constant 0 : i32
    %c0_i32_0 = arith.constant 0 : i32
    return %arg0, %c0_i32 : i32, i32
  }
}

</mosaic_0001>

<sc_bundles>
// kernel: kernel.10.cloned.1.call-start
scs
__scs_entry_jumppad:
0x0: {  	(pc) =	sbr.rel $0x88, $3  }
0x1: {  	(tag) =	ssettag $0x0;
	lr =	simm.s32 $0x1  }
0x2: {  	[smem:$0x3F9C] =	sst lr;
	_ =	strace $0xD0000000  }
0x3: {  	_ = 	snop  }
0x4: {  	_ = 	snop  }
0x5: {  	_ = 	snop  }
0x6: {  	_ = 	snop  }
0x7: {  	_ = 	snop  }
__scs_overlays_trampoline_lowered:
0x8: {  	[smem:$0x3FAB] =	sst s0  }
0x9: {  	[smem:$0x3FAC] =	sst s1  }
0xa: {  	[smem:$0x3FAD] =	sst s2  }
0xb: {  	[smem:$0x3FAE] =	sst s3  }
0xc: {  	[smem:$0x3FAF] =	sst s4  }
0xd: {  	[smem:$0x3FB0] =	sst s5  }
0xe: {  	[smem:$0x3FB1] =	sst s6  }
0xf: {  	[smem:$0x3FB2] =	sst s7  }
0x10: {  	[smem:$0x3FB3] =	sst s8  }
0x11: {  	[smem:$0x3FB4] =	sst s9;
	s0 =	simm.s32 @!p0 $0x0  }
0x12: {  	s1 =	sld [smem:$0x3F9A];
	s0 =	simm.s32 @p0 $0x1  }
0x13: {  	[smem:$0x3FB5] =	sst s0;
	s0 =	simm.s32 @!p1 $0x0  }
0x14: {  	s2 =	sld [smem:$0x3F99];
	s0 =	simm.s32 @p1 $0x1  }
0x15: {  	[smem:$0x3FB6] =	sst s0;
	s0 =	simm.s32 @!p2 $0x0  }
0x16: {  	s3 =	sld [smem:$0x3FDB];
	s0 =	simm.s32 @p2 $0x1  }
0x17: {  	s4 =	simm.s32 $0x1BF5;
	[smem:$0x3FB8] =	sst s0  }
0x18: {  	s0 =	sld [smem:$0x3F9B];
	_ =	swait.ge [sflag:s4], $0x0  }
0x19: {  	s7 =	sld [smem:$0x3F9C]  }
0x1a: {  	s8 =	sadd.s32 $0xFFFFE003, lr  }
0x1b: {  	s9 =	sadd.s32 $0xFFFFFEF7, lr;
	s5 =	simm.s32 $0xFFFFFFFF;
	p2 =	slt.u32 s8, $0xFFFFF086  }
0x1c: {  	p1 =	slt.u32 s9, $0xF7A;
	s5 =	simm.s32 @!p2 $0x0  }
0x1d: {  	s5 =	simm.s32 @p1 $0x1;
	p0 =	seq.s32 s7, s2  }
0x1e: {  	s7 =	smul.u32 @!p0 $0xF7A, s2;
	p2 =	seq.s32 @!p0 s5, $0x0  }
0x1f: {  	s9 =	smul.u32 $0xF7A, s1;
	s8 =	simm.s32 @!p0 $0x1BF5;
	p2 =	por !p2, p0  }
0x20: {  	[sflag:s8] =	ssyncset.s32 @!p0 $0xFFFFF086;
	s6 =	sadd.s32 @!p0 s3, s7;
	s7 =	simm.s32 @!p0 $0x108  }
0x21: {  	s3 =	sadd.s32 s3, s9;
	s6 =	sadd.s32 @!p0 $0x88, s6;
	s7 =	simm.s32 @p2 $0x1082  }
0x22: {  	[simem:s7], [sflag:s8] =	dma.local @!p0 [hbm:s6], $0xF7A  }
0x23: {  	s9 =	sor.u32 $0xD0000000, s2;
	s6 =	simm.s32 $0x108;
	_ =	swait.ge @!p0 [sflag:s8], $0x0  }
0x24: {  	s3 =	sadd.s32 $0x88, s3;
	s6 =	simm.s32 @!p1 $0x1082;
	[sflag:s4] =	ssyncset.s32 $0xFFFFF086  }
0x25: {  	[simem:s6], [sflag:s4] =	dma.local [hbm:s3], $0xF7A  }
0x26: {  	[smem:$0x3F9C] =	sst s1;
	(tag) =	ssettag s2;
	_ =	strace s9  }
0x27: {  	s1 =	sld [smem:$0x3FAC]  }
0x28: {  	s2 =	sld [smem:$0x3FAD]  }
0x29: {  	s4 =	sld [smem:$0x3FAF]  }
0x2a: {  	p0 =	seq.s32 s5, $0x0;
	s5 =	sld [smem:$0x3FB0]  }
0x2b: {  	s6 =	sld [smem:$0x3FB1]  }
0x2c: {  	s7 =	sld [smem:$0x3FB2]  }
0x2d: {  	s3 =	simm.s32 $0x108;
	s8 =	sld [smem:$0x3FB3]  }
0x2e: {  	s3 =	simm.s32 @!p0 $0x1082;
	s9 =	sld [smem:$0x3FB4]  }
0x2f: {  	lr =	sadd.s32 s0, s3;
	s0 =	sld [smem:$0x3FAB]  }
0x30: {  	s3 =	sld [smem:$0x3FAE]  }
0x31: {  	[smem:$0x3FB7] =	sst s10  }
0x32: {  	s10 =	sld [smem:$0x3FB5];
	_ =	sdelay $0x3  }
0x33: {  	p0 =	seq.s32 s10, $0x1;
	s10 =	sld [smem:$0x3FB7];
	_ =	sdelay $0x3  }
0x34: {  	[smem:$0x3FB7] =	sst s10  }
0x35: {  	s10 =	sld [smem:$0x3FB6];
	_ =	sdelay $0x3  }
0x36: {  	p1 =	seq.s32 s10, $0x1;
	s10 =	sld [smem:$0x3FB7];
	_ =	sdelay $0x3  }
0x37: {  	[smem:$0x3FB7] =	sst s10  }
0x38: {  	s10 =	sld [smem:$0x3FB8]  }
0x39: {  	_ = 	snop;
	(pc) =	sbr.ind lr, $3  }
0x3a: {  	_ = 	snop  }
0x3b: {  	_ = 	snop  }
0x3c: {  	p2 =	seq.s32 s10, $0x1;
	s10 =	sld [smem:$0x3FB7]  }
0x3d: {  	_ =	shalt  }
0x3e: {  	_ =	shalt  }
0x3f: {  	_ =	shalt  }
0x40: {  	_ =	shalt  }
0x41: {  	_ =	shalt  }
0x42: {  	_ =	shalt  }
0x43: {  	_ =	shalt  }
0x44: {  	_ =	shalt  }
0x45: {  	_ =	shalt  }
0x46: {  	_ =	shalt  }
0x47: {  	_ =	shalt  }
0x48: {  	_ =	shalt  }
0x49: {  	_ =	shalt  }
0x4a: {  	_ =	shalt  }
0x4b: {  	_ =	shalt  }
0x4c: {  	_ =	shalt  }
0x4d: {  	_ =	shalt  }
0x4e: {  	_ =	shalt  }
0x4f: {  	_ =	shalt  }
0x50: {  	_ =	shalt  }
0x51: {  	_ =	shalt  }
0x52: {  	_ =	shalt  }
0x53: {  	_ =	shalt  }
0x54: {  	_ =	shalt  }
0x55: {  	_ =	shalt  }
0x56: {  	_ =	shalt  }
0x57: {  	_ =	shalt  }
0x58: {  	_ =	shalt  }
0x59: {  	_ =	shalt  }
0x5a: {  	_ =	shalt  }
0x5b: {  	_ =	shalt  }
0x5c: {  	_ =	shalt  }
0x5d: {  	_ =	shalt  }
0x5e: {  	_ =	shalt  }
0x5f: {  	_ =	shalt  }
0x60: {  	_ =	shalt  }
0x61: {  	_ =	shalt  }
0x62: {  	_ =	shalt  }
0x63: {  	_ =	shalt  }
0x64: {  	_ =	shalt  }
0x65: {  	_ =	shalt  }
0x66: {  	_ =	shalt  }
0x67: {  	_ =	shalt  }
0x68: {  	_ =	shalt  }
0x69: {  	_ =	shalt  }
0x6a: {  	_ =	shalt  }
0x6b: {  	_ =	shalt  }
0x6c: {  	_ =	shalt  }
0x6d: {  	_ =	shalt  }
0x6e: {  	_ =	shalt  }
0x6f: {  	_ =	shalt  }
0x70: {  	_ =	shalt  }
0x71: {  	_ =	shalt  }
0x72: {  	_ =	shalt  }
0x73: {  	_ =	shalt  }
0x74: {  	_ =	shalt  }
0x75: {  	_ =	shalt  }
0x76: {  	_ =	shalt  }
0x77: {  	_ =	shalt  }
0x78: {  	_ =	shalt  }
0x79: {  	_ =	shalt  }
0x7a: {  	_ =	shalt  }
0x7b: {  	_ =	shalt  }
0x7c: {  	_ =	shalt  }
0x7d: {  	_ =	shalt  }
0x7e: {  	_ =	shalt  }
0x7f: {  	_ =	shalt  }
0x80: {  	_ =	shalt  }
0x81: {  	_ =	shalt  }
0x82: {  	_ =	shalt  }
0x83: {  	_ =	shalt  }
0x84: {  	_ =	shalt  }
0x85: {  	_ =	shalt  }
0x86: {  	_ =	shalt  }
0x87: {  	_ =	shalt  }
.Lfunc_end0:
.L_simem_size_0:
called_computation.1_lowered:
.L_overlay_start_0:
0x88: {  	s2 =	sld [smem:$0x3FD9]  }
0x89: {  	s3 =	sld [smem:$0x3FFE];
	_ =	sdelay $0x1  }
0x8a: {  	s1 =	srdreg.scid  }
0x8b: {  	s0 =	sand.u32 $0x1, s1  }
0x8c: {  	s14 =	sshll.u32 s0, $0xA;
	s2 =	sadd.s32 s3, s2  }
0x8d: {  	s2 =	sadd.s32 s2, s14  }
0x8e: {  	[smem:$0x3FC3] =	sst s2  }
0x8f: {  	_ = 	snop  }
0x90: {  	s2 =	sld [smem:$0x3FD0];
	_ =	sdelay $0x2  }
0x91: {  	s15 =	simm.s32 $0xA;
	s4 =	simm.s32 $0x10  }
0x92: {  	[smem:s4], [sflag:s15] =	dma.local [hbm:s2], $0x1  }
0x93: {  	_ =	swait.eq [sflag:s15], $0x1  }
0x94: {  	[sflag:s15] =	ssyncset.done $0x0  }
0x95: {  	[sflag:s15] =	ssyncadd.s32 $0xFFFFFFFF  }
0x96: {  	s16 =	sld [smem:$0x10];
	(tm) =	ssettm $0x1  }
0x97: {  	s17 =	sld [smem:$0x3FFB];
	_ =	sdelay $0x3  }
0x98: {  	_ =	strace s17  }
0x99: {  	s3 =	sld [smem:$0x3FFC];
	_ =	sdelay $0x3  }
0x9a: {  	_ =	strace s3  }
0x9b: {  	s3 =	sld [smem:$0x3FFD];
	_ =	sdelay $0x3  }
0x9c: {  	_ =	strace s3  }
0x9d: {  	_ =	strace $0x8FFFFFFF  }
0x9e: {  	s18 =	sld [smem:$0x3FDB];
	_ =	sdelay $0x1  }
0x9f: {  	s19 =	simm.s32 $_scs_section_size  }
0xa0: {  	s5 =	simm.s32 $_size__tile_overlayer_lowered;
	s6 =	simm.s32 $_tile_overlayer_lowered  }
0xa1: {  	s22 =	simm.s32 $0x1BFF;
	s21 =	sshll.u32 s6, $0x1;
	s3 =	sadd.s32 s19, s18  }
0xa2: {  	s7 =	simm.s32 $0x0;
	s20 =	sshll.u32 s5, $0x1;
	s5 =	sadd.s32 s21, s3  }
0xa3: {  	[timem:s7], [sflag:s22] =	dma.local [hbm:s5], s20  }
0xa4: {  	_ =	swait.ge [sflag:s22], s20  }
0xa5: {  	s4 =	ssub.s32 $0x0, s20;
	[sflag:s22] =	ssyncset.done $0x0  }
0xa6: {  	[sflag:s22] =	ssyncadd.s32 s4;
	_ =	sdelay $0x1  }
0xa7: {  	s23 =	simm.s32 $0x1B8B  }
0xa8: {  	_ =	swait.ge [sflag:s23], $0x1  }
0xa9: {  	[sflag:s23] =	ssyncset.done $0x0  }
0xaa: {  	s25 =	simm.s32 $0x1B8E;
	s24 =	sld [smem:$0x3FFE];
	[sflag:s23] =	ssyncadd.s32 $0xFFFFFFFF  }
0xab: {  	s26 =	simm.s32 $execute0_lowered;
	[smem:$0x3FD2] =	sst s25  }
0xac: {  	s5 =	sshll.u32 s26, $0x1;
	_ =	strace $0x80000049;
	[dreg:$0x1] =	wrdreg $0xFFFFFFFF  }
0xad: {  	s28 =	simm.s32 $_size_execute0_lowered;
	s3 =	sadd.s32 s3, s5;
	[dreg:$0x0] =	wrdreg $0x0  }
0xae: {  	s5 =	sshll.u32 s28, $0x1;
	[dreg:$0x2] =	wrdreg s3  }
0xaf: {  	[dreg:$0x3] =	wrdreg s5  }
0xb0: {  	[dreg:$0x4] =	wrdreg $0xC0  }
0xb1: {  	_ =	task [dreg:s7], $0x5FFFF  }
0xb2: {  	[dreg:$0x1] =	wrdreg $0xFFFFFFFF  }
0xb3: {  	[dreg:$0x0] =	wrdreg $0x60  }
0xb4: {  	[dreg:$0x2] =	wrdreg s24  }
0xb5: {  	[dreg:$0x3] =	wrdreg s16  }
0xb6: {  	[dreg:$0x4] =	wrdreg $0x9  }
0xb7: {  	_ =	task.clear_ibuf [dreg:s7], $0x5FFFF;
	_ =	strace $0x90000049  }
0xb8: {  	s29 =	simm.s32 $0x9;
	_ =	strace $0x8000004B  }
0xb9: {  	_ =	swait.ge [sflag:s29], $0x1  }
0xba: {  	[sflag:s29] =	ssyncadd.s32 $0xFFFFFFFF  }
0xbb: {  	_ =	strace $0x9000004B  }
0xbc: {  	_ =	sfence  }
0xbd: {  	s30 =	sld [smem:$0x0];
	_ =	sdelay $0x2  }
0xbe: {  	s31 =	sshll.u32 s1, $0xD;
	s1 =	sshrl.u32 s1, $0x2  }
0xbf: {  	s3 =	sand.u32 $0x4000, s31;
	s1 =	sadd.s32 s1, s30  }
0xc0: {  	s0 =	sor.u32 s3, s0;
	s1 =	sshll.u32 s1, $0x11  }
0xc1: {  	s0 =	sor.u32 s1, s0  }
0xc2: {  	s0 =	sadd.s32 $0x8F2B, s0  }
0xc3: {  	[sflag:s0] =	ssyncadd.remote.s32 $0x1  }
0xc4: {  	_ =	sfence.sel $0xFFFF  }
0xc5: {  	[dreg:$0x0] =	wrdreg $0xFFFFFFFF;
	(pc) =	sbr.abs _section_cstart, $3  }
0xc6: {  	[dreg:$0x1] =	wrdreg $0xFFFFFFFF  }
0xc7: {  	_ =	task.clear_ibuf [dreg:s7], $0x2FFFF;
	_ =	strace $0x9FFFFFFF  }
0xc8: {  	(tm) =	ssettm $0x7FFFFFFF  }
0xc9: {  	_ =	shalt  }
tec
execute0_lowered:
.L_overlay_start_1:
0x0: {  	(tag) =	ssettag $0x1  }
0x1: {  	s0 =	srdreg.scid;
	s1 =	rddreg [dreg:$0x0]  }
0x2: {  	s2 =	stileid.u32;
	s4 =	rddreg [dreg:$0x1]  }
0x3: {  	s8 =	simm.s32 $0x1;
	s10 =	simm.s32 $0x880;
	s11 =	simm.s32 $0x1080  }
0x4: {  	s12 =	simm.s32 $0x1880;
	s13 =	simm.s32 $0x2080;
	s14 =	simm.s32 $0x2880  }
0x5: {  	s15 =	simm.s32 $0x3080;
	s16 =	simm.s32 $0x3880;
	s17 =	simm.s32 $0x4080  }
0x6: {  	s18 =	simm.s32 $0x4880;
	s19 =	simm.s32 $0x5080;
	s20 =	simm.s32 $0x5880  }
0x7: {  	s21 =	simm.s32 $0x6080;
	s22 =	simm.s32 $0x6880;
	s23 =	simm.s32 $0x7080  }
0x8: {  	s28 =	simm.s32 $0x9080;
	s29 =	simm.s32 $0x9880;
	s30 =	simm.s32 $0xA080  }
0x9: {  	s0 =	sand.u32 $0x1, s0;
	s3 =	sshll.u32 s2, $0x5;
	s2 =	simm.s32 $0x0  }
0xa: {  	s31 =	simm.s32 $0xA880;
	s5 =	sshll.u32 s0, $0x4;
	[smem:$0x7FF] =	sst s2  }
0xb: {  	s0 =	ssub.s32 $0x2, s0;
	s5 =	sor.u32 s5, s3;
	_ =	strace $0x8000004A  }
0xc: {  	s3 =	sadd.s32 $0x60200, s1;
	s25 =	sshrl.u32 s0, $0x1;
	s6 =	smul.u32 $0x300, s5  }
0xd: {  	s7 =	sadd.s32 s5, s1;
	s4 =	sadd.s32 s4, s5;
	s0 =	ssub.s32 s0, s25  }
0xe: {  	s5 =	sadd.s32 $0x60400, s1;
	s25 =	simm.s32 $0x8080;
	[dreg:$0x3] =	wrdreg s4  }
0xf: {  	s26 =	sadd.s32 $0x60000, s7;
	s4 =	sadd.s32 $0x60300, s1;
	s6 =	sadd.s32 s6, s1  }
0x10: {  	v2 =	vlaneseq.u32;
	s7 =	simm.s32 $0x2;
	[dreg:$0x5] =	wrdreg s26;
	s24 =	sadd.s32 $0x120200, s6  }
0x11: {  	vm0 =	vmmov $0xffff;
	v1 =	vshrl.u32 v2, $0x3;
	s26 =	simm.s32 $0x8880;
	s6 =	sadd.s32 $0x180200, s6;
	[dreg:$0x4] =	wrdreg s24  }
0x12: {  	v0 =	vand.u32 $0x7, v2;
	v2 =	vor.u32 $0x8, v2;
	v1 =	vmul.u32 $0x8, v1;
	[dreg:$0x6] =	wrdreg s6;
	s6 =	smax.u32 s0, $0x1;
	s24 =	simm.s32 $0x7880  }
.LBB2_1:
0x13: {  	s9 =	rddreg [dreg:$0x3]  }
0x14: {  	[tilespmem:s2], [sflag:$0x2] =	stream.linear.gather [hbm4b:s9+s2], $0x80, $0x38;
	[tilespmem:$0x18080] =	vst v63  }
0x15: {  	_ =	swait.ge [sflag:s7], $0x80  }
0x16: {  	[sflag:s7] =	ssyncset.done $0x0  }
0x17: {  	[sflag:s7] =	ssyncadd.s32 $0xFFFFFF80  }
0x18: {  	v3 =	vld [tilespmem:$0x0];
	_ =	sdelay $0x4  }
0x19: {  	v4 =	vshrl.u32 v3, $0x3  }
0x1a: {  	v4 =	vmul.u32 $0x30, v4  }
0x1b: {  	v3 =	vand.u32 $0x7, v3  }
0x1c: {  	v3 =	vor.u32 v3, v4  }
0x1d: {  	v4 =	vperm.xlane v3, v0;
	_ =	sdelay $0x1  }
0x1e: {  	v4 =	vadd.s32 v1, v4;
	_ =	sdelay $0x3  }
0x1f: {  	s1 =	simm.s32 $0x80;
	v3 =	vperm.xlane v3, v2  }
0x20: {  	[tilespmem:s1], [sflag:$0x1] =	stream.indirect_vreg.gather [hbm4b:s3+s2], $0x80, v4, vm0, $0xb8;
	[tilespmem:$0x18080] =	vst v63  }
0x21: {  	v3 =	vadd.s32 v1, v3  }
0x22: {  	[tilespmem:s10], [sflag:$0x1] =	stream.indirect_vreg.gather [hbm4b:s4+s2], $0x80, v4, vm0, $0xb8;
	[tilespmem:$0x18080] =	vst v63  }
0x23: {  	_ = 	snop  }
0x24: {  	[tilespmem:s11], [sflag:$0x1] =	stream.indirect_vreg.gather [hbm4b:s5+s2], $0x80, v4, vm0, $0xb8;
	[tilespmem:$0x18080] =	vst v63  }
0x25: {  	_ = 	snop  }
0x26: {  	[tilespmem:s12], [sflag:$0x1] =	stream.indirect_vreg.gather [hbm4b:s3+s2], $0x80, v3, vm0, $0xb8;
	[tilespmem:$0x18080] =	vst v63  }
0x27: {  	_ = 	snop  }
0x28: {  	[tilespmem:s13], [sflag:$0x1] =	stream.indirect_vreg.gather [hbm4b:s4+s2], $0x80, v3, vm0, $0xb8;
	[tilespmem:$0x18080] =	vst v63  }
0x29: {  	_ = 	snop  }
0x2a: {  	[tilespmem:s14], [sflag:$0x1] =	stream.indirect_vreg.gather [hbm4b:s5+s2], $0x80, v3, vm0, $0xb8;
	[tilespmem:$0x18080] =	vst v63  }
0x2b: {  	v3 =	vld [tilespmem:$0x10];
	_ =	sdelay $0x4  }
0x2c: {  	v49 =	vshrl.u32 v3, $0x3  }
0x2d: {  	v4 =	vmul.u32 $0x30, v49  }
0x2e: {  	v3 =	vand.u32 $0x7, v3  }
0x2f: {  	v3 =	vor.u32 v3, v4  }
0x30: {  	v4 =	vperm.xlane v3, v0;
	_ =	sdelay $0x1  }
0x31: {  	v4 =	vadd.s32 v1, v4;
	_ =	sdelay $0x3  }
0x32: {  	v3 =	vperm.xlane v3, v2  }
0x33: {  	[tilespmem:s15], [sflag:$0x1] =	stream.indirect_vreg.gather [hbm4b:s3+s2], $0x80, v4, vm0, $0xb8;
	[tilespmem:$0x18080] =	vst v63  }
0x34: {  	v3 =	vadd.s32 v1, v3  }
0x35: {  	[tilespmem:s16], [sflag:$0x1] =	stream.indirect_vreg.gather [hbm4b:s4+s2], $0x80, v4, vm0, $0xb8;
	[tilespmem:$0x18080] =	vst v63  }
0x36: {  	_ = 	snop  }
0x37: {  	[tilespmem:s17], [sflag:$0x1] =	stream.indirect_vreg.gather [hbm4b:s5+s2], $0x80, v4, vm0, $0xb8;
	[tilespmem:$0x18080] =	vst v63  }
0x38: {  	_ = 	snop  }
0x39: {  	[tilespmem:s18], [sflag:$0x1] =	stream.indirect_vreg.gather [hbm4b:s3+s2], $0x80, v3, vm0, $0xb8;
	[tilespmem:$0x18080] =	vst v63  }
0x3a: {  	_ = 	snop  }
0x3b: {  	[tilespmem:s19], [sflag:$0x1] =	stream.indirect_vreg.gather [hbm4b:s4+s2], $0x80, v3, vm0, $0xb8;
	[tilespmem:$0x18080] =	vst v63  }
0x3c: {  	_ = 	snop  }
0x3d: {  	[tilespmem:s20], [sflag:$0x1] =	stream.indirect_vreg.gather [hbm4b:s5+s2], $0x80, v3, vm0, $0xb8;
	[tilespmem:$0x18080] =	vst v63  }
0x3e: {  	v3 =	vld [tilespmem:$0x20];
	_ =	sdelay $0x4  }
0x3f: {  	v50 =	vshrl.u32 v3, $0x3  }
0x40: {  	v4 =	vmul.u32 $0x30, v50  }
0x41: {  	v3 =	vand.u32 $0x7, v3  }
0x42: {  	v3 =	vor.u32 v3, v4  }
0x43: {  	v4 =	vperm.xlane v3, v0;
	_ =	sdelay $0x1  }
0x44: {  	v4 =	vadd.s32 v1, v4;
	_ =	sdelay $0x3  }
0x45: {  	v3 =	vperm.xlane v3, v2  }
0x46: {  	[tilespmem:s21], [sflag:$0x1] =	stream.indirect_vreg.gather [hbm4b:s3+s2], $0x80, v4, vm0, $0xb8;
	[tilespmem:$0x18080] =	vst v63  }
0x47: {  	v3 =	vadd.s32 v1, v3  }
0x48: {  	[tilespmem:s22], [sflag:$0x1] =	stream.indirect_vreg.gather [hbm4b:s4+s2], $0x80, v4, vm0, $0xb8;
	[tilespmem:$0x18080] =	vst v63  }
0x49: {  	_ = 	snop  }
0x4a: {  	[tilespmem:s23], [sflag:$0x1] =	stream.indirect_vreg.gather [hbm4b:s5+s2], $0x80, v4, vm0, $0xb8;
	[tilespmem:$0x18080] =	vst v63  }
0x4b: {  	_ = 	snop  }
0x4c: {  	[tilespmem:s24], [sflag:$0x1] =	stream.indirect_vreg.gather [hbm4b:s3+s2], $0x80, v3, vm0, $0xb8;
	[tilespmem:$0x18080] =	vst v63  }
0x4d: {  	_ = 	snop  }
0x4e: {  	[tilespmem:s25], [sflag:$0x1] =	stream.indirect_vreg.gather [hbm4b:s4+s2], $0x80, v3, vm0, $0xb8;
	[tilespmem:$0x18080] =	vst v63  }
0x4f: {  	_ = 	snop  }
0x50: {  	[tilespmem:s26], [sflag:$0x1] =	stream.indirect_vreg.gather [hbm4b:s5+s2], $0x80, v3, vm0, $0xb8;
	[tilespmem:$0x18080] =	vst v63  }
0x51: {  	v3 =	vld [tilespmem:$0x30];
	_ =	sdelay $0x4  }
0x52: {  	v51 =	vshrl.u32 v3, $0x3  }
0x53: {  	v4 =	vmul.u32 $0x30, v51  }
0x54: {  	v3 =	vand.u32 $0x7, v3  }
0x55: {  	v3 =	vor.u32 v3, v4  }
0x56: {  	v4 =	vperm.xlane v3, v0;
	_ =	sdelay $0x1  }
0x57: {  	v4 =	vadd.s32 v1, v4;
	_ =	sdelay $0x3  }
0x58: {  	v3 =	vperm.xlane v3, v2  }
0x59: {  	[tilespmem:s28], [sflag:$0x1] =	stream.indirect_vreg.gather [hbm4b:s3+s2], $0x80, v4, vm0, $0xb8;
	[tilespmem:$0x18080] =	vst v63  }
0x5a: {  	v3 =	vadd.s32 v1, v3  }
0x5b: {  	[tilespmem:s29], [sflag:$0x1] =	stream.indirect_vreg.gather [hbm4b:s4+s2], $0x80, v4, vm0, $0xb8;
	[tilespmem:$0x18080] =	vst v63  }
0x5c: {  	_ = 	snop  }
0x5d: {  	[tilespmem:s30], [sflag:$0x1] =	stream.indirect_vreg.gather [hbm4b:s5+s2], $0x80, v4, vm0, $0xb8;
	[tilespmem:$0x18080] =	vst v63  }
0x5e: {  	_ = 	snop  }
0x5f: {  	[tilespmem:s31], [sflag:$0x1] =	stream.indirect_vreg.gather [hbm4b:s3+s2], $0x80, v3, vm0, $0xb8;
	[tilespmem:$0x18080] =	vst v63  }
0x60: {  	s1 =	simm.s32 $0xB080  }
0x61: {  	[tilespmem:s1], [sflag:$0x1] =	stream.indirect_vreg.gather [hbm4b:s4+s2], $0x80, v3, vm0, $0xb8;
	[tilespmem:$0x18080] =	vst v63  }
0x62: {  	s0 =	simm.s32 $0xB880  }
0x63: {  	[tilespmem:s0], [sflag:$0x1] =	stream.indirect_vreg.gather [hbm4b:s5+s2], $0x80, v3, vm0, $0xb8;
	[tilespmem:$0x18080] =	vst v63  }
0x64: {  	v3 =	vld [tilespmem:$0x40];
	_ =	sdelay $0x4  }
0x65: {  	v52 =	vshrl.u32 v3, $0x3  }
0x66: {  	v4 =	vmul.u32 $0x30, v52  }
0x67: {  	v3 =	vand.u32 $0x7, v3  }
0x68: {  	v3 =	vor.u32 v3, v4  }
0x69: {  	v4 =	vperm.xlane v3, v0;
	_ =	sdelay $0x1  }
0x6a: {  	v4 =	vadd.s32 v1, v4;
	_ =	sdelay $0x3  }
0x6b: {  	s9 =	simm.s32 $0xC080;
	v3 =	vperm.xlane v3, v2  }
0x6c: {  	[tilespmem:s9], [sflag:$0x1] =	stream.indirect_vreg.gather [hbm4b:s3+s2], $0x80, v4, vm0, $0xb8;
	[tilespmem:$0x18080] =	vst v63  }
0x6d: {  	v3 =	vadd.s32 v1, v3;
	s9 =	simm.s32 $0xC880  }
0x6e: {  	[tilespmem:s9], [sflag:$0x1] =	stream.indirect_vreg.gather [hbm4b:s4+s2], $0x80, v4, vm0, $0xb8;
	[tilespmem:$0x18080] =	vst v63  }
0x6f: {  	s9 =	simm.s32 $0xD080  }
0x70: {  	[tilespmem:s9], [sflag:$0x1] =	stream.indirect_vreg.gather [hbm4b:s5+s2], $0x80, v4, vm0, $0xb8;
	[tilespmem:$0x18080] =	vst v63  }
0x71: {  	s9 =	simm.s32 $0xD880  }
0x72: {  	[tilespmem:s9], [sflag:$0x1] =	stream.indirect_vreg.gather [hbm4b:s3+s2], $0x80, v3, vm0, $0xb8;
	[tilespmem:$0x18080] =	vst v63  }
0x73: {  	s9 =	simm.s32 $0xE080  }
0x74: {  	[tilespmem:s9], [sflag:$0x1] =	stream.indirect_vreg.gather [hbm4b:s4+s2], $0x80, v3, vm0, $0xb8;
	[tilespmem:$0x18080] =	vst v63  }
0x75: {  	s9 =	simm.s32 $0xE880  }
0x76: {  	[tilespmem:s9], [sflag:$0x1] =	stream.indirect_vreg.gather [hbm4b:s5+s2], $0x80, v3, vm0, $0xb8;
	[tilespmem:$0x18080] =	vst v63  }
0x77: {  	v3 =	vld [tilespmem:$0x50];
	_ =	sdelay $0x4  }
0x78: {  	v53 =	vshrl.u32 v3, $0x3  }
0x79: {  	v4 =	vmul.u32 $0x30, v53  }
0x7a: {  	v3 =	vand.u32 $0x7, v3  }
0x7b: {  	v3 =	vor.u32 v3, v4  }
0x7c: {  	v4 =	vperm.xlane v3, v0;
	_ =	sdelay $0x1  }
0x7d: {  	v4 =	vadd.s32 v1, v4;
	_ =	sdelay $0x3  }
0x7e: {  	s9 =	simm.s32 $0xF080;
	v3 =	vperm.xlane v3, v2  }
0x7f: {  	[tilespmem:s9], [sflag:$0x1] =	stream.indirect_vreg.gather [hbm4b:s3+s2], $0x80, v4, vm0, $0xb8;
	[tilespmem:$0x18080] =	vst v63  }
0x80: {  	v3 =	vadd.s32 v1, v3;
	s9 =	simm.s32 $0xF880  }
0x81: {  	[tilespmem:s9], [sflag:$0x1] =	stream.indirect_vreg.gather [hbm4b:s4+s2], $0x80, v4, vm0, $0xb8;
	[tilespmem:$0x18080] =	vst v63  }
0x82: {  	s9 =	simm.s32 $0x10080  }
0x83: {  	[tilespmem:s9], [sflag:$0x1] =	stream.indirect_vreg.gather [hbm4b:s5+s2], $0x80, v4, vm0, $0xb8;
	[tilespmem:$0x18080] =	vst v63  }
0x84: {  	s9 =	simm.s32 $0x10880  }
0x85: {  	[tilespmem:s9], [sflag:$0x1] =	stream.indirect_vreg.gather [hbm4b:s3+s2], $0x80, v3, vm0, $0xb8;
	[tilespmem:$0x18080] =	vst v63  }
0x86: {  	s9 =	simm.s32 $0x11080  }
0x87: {  	[tilespmem:s9], [sflag:$0x1] =	stream.indirect_vreg.gather [hbm4b:s4+s2], $0x80, v3, vm0, $0xb8;
	[tilespmem:$0x18080] =	vst v63  }
0x88: {  	s9 =	simm.s32 $0x11880  }
0x89: {  	[tilespmem:s9], [sflag:$0x1] =	stream.indirect_vreg.gather [hbm4b:s5+s2], $0x80, v3, vm0, $0xb8;
	[tilespmem:$0x18080] =	vst v63  }
0x8a: {  	v3 =	vld [tilespmem:$0x60];
	_ =	sdelay $0x4  }
0x8b: {  	v54 =	vshrl.u32 v3, $0x3  }
0x8c: {  	v4 =	vmul.u32 $0x30, v54  }
0x8d: {  	v3 =	vand.u32 $0x7, v3  }
0x8e: {  	v3 =	vor.u32 v3, v4  }
0x8f: {  	v4 =	vperm.xlane v3, v0;
	_ =	sdelay $0x1  }
0x90: {  	v4 =	vadd.s32 v1, v4;
	_ =	sdelay $0x3  }
0x91: {  	s9 =	simm.s32 $0x12080;
	v3 =	vperm.xlane v3, v2  }
0x92: {  	[tilespmem:s9], [sflag:$0x1] =	stream.indirect_vreg.gather [hbm4b:s3+s2], $0x80, v4, vm0, $0xb8;
	[tilespmem:$0x18080] =	vst v63  }
0x93: {  	v3 =	vadd.s32 v1, v3;
	s9 =	simm.s32 $0x12880  }
0x94: {  	[tilespmem:s9], [sflag:$0x1] =	stream.indirect_vreg.gather [hbm4b:s4+s2], $0x80, v4, vm0, $0xb8;
	[tilespmem:$0x18080] =	vst v63  }
0x95: {  	s9 =	simm.s32 $0x13080  }
0x96: {  	[tilespmem:s9], [sflag:$0x1] =	stream.indirect_vreg.gather [hbm4b:s5+s2], $0x80, v4, vm0, $0xb8;
	[tilespmem:$0x18080] =	vst v63  }
0x97: {  	s9 =	simm.s32 $0x13880  }
0x98: {  	[tilespmem:s9], [sflag:$0x1] =	stream.indirect_vreg.gather [hbm4b:s3+s2], $0x80, v3, vm0, $0xb8;
	[tilespmem:$0x18080] =	vst v63  }
0x99: {  	s9 =	simm.s32 $0x14080  }
0x9a: {  	[tilespmem:s9], [sflag:$0x1] =	stream.indirect_vreg.gather [hbm4b:s4+s2], $0x80, v3, vm0, $0xb8;
	[tilespmem:$0x18080] =	vst v63  }
0x9b: {  	s9 =	simm.s32 $0x14880  }
0x9c: {  	[tilespmem:s9], [sflag:$0x1] =	stream.indirect_vreg.gather [hbm4b:s5+s2], $0x80, v3, vm0, $0xb8;
	[tilespmem:$0x18080] =	vst v63  }
0x9d: {  	v3 =	vld [tilespmem:$0x70];
	_ =	sdelay $0x4  }
0x9e: {  	v55 =	vshrl.u32 v3, $0x3  }
0x9f: {  	v4 =	vmul.u32 $0x30, v55  }
0xa0: {  	v3 =	vand.u32 $0x7, v3  }
0xa1: {  	v3 =	vor.u32 v3, v4  }
0xa2: {  	v4 =	vperm.xlane v3, v0;
	_ =	sdelay $0x1  }
0xa3: {  	v4 =	vadd.s32 v1, v4;
	_ =	sdelay $0x3  }
0xa4: {  	s9 =	simm.s32 $0x15080;
	v3 =	vperm.xlane v3, v2  }
0xa5: {  	[tilespmem:s9], [sflag:$0x1] =	stream.indirect_vreg.gather [hbm4b:s3+s2], $0x80, v4, vm0, $0xb8;
	[tilespmem:$0x18080] =	vst v63  }
0xa6: {  	v3 =	vadd.s32 v1, v3;
	s9 =	simm.s32 $0x15880  }
0xa7: {  	[tilespmem:s9], [sflag:$0x1] =	stream.indirect_vreg.gather [hbm4b:s4+s2], $0x80, v4, vm0, $0xb8;
	[tilespmem:$0x18080] =	vst v63  }
0xa8: {  	s9 =	simm.s32 $0x16080  }
0xa9: {  	[tilespmem:s9], [sflag:$0x1] =	stream.indirect_vreg.gather [hbm4b:s5+s2], $0x80, v4, vm0, $0xb8;
	[tilespmem:$0x18080] =	vst v63  }
0xaa: {  	s9 =	simm.s32 $0x16880  }
0xab: {  	[tilespmem:s9], [sflag:$0x1] =	stream.indirect_vreg.gather [hbm4b:s3+s2], $0x80, v3, vm0, $0xb8;
	[tilespmem:$0x18080] =	vst v63  }
0xac: {  	s9 =	simm.s32 $0x17080  }
0xad: {  	[tilespmem:s9], [sflag:$0x1] =	stream.indirect_vreg.gather [hbm4b:s4+s2], $0x80, v3, vm0, $0xb8;
	[tilespmem:$0x18080] =	vst v63  }
0xae: {  	s9 =	simm.s32 $0x17880  }
0xaf: {  	[tilespmem:s9], [sflag:$0x1] =	stream.indirect_vreg.gather [hbm4b:s5+s2], $0x80, v3, vm0, $0xb8;
	[tilespmem:$0x18080] =	vst v63  }
0xb0: {  	_ =	swait.ge [sflag:s8], $0x18000  }
0xb1: {  	[sflag:s8] =	ssyncset.done $0x0  }
0xb2: {  	s0 =	simm.s32 $0x80;
	s9 =	rddreg [dreg:$0x4];
	[sflag:s8] =	ssyncadd.s32 $0xFFFE8000  }
0xb3: {  	[hbm4b:s9+s2] =	stream.linear.scatter [tilespmem:s0], [sflag:$0x2], $0x18000, $0x38;
	[tilespmem:$0x18080] =	vst v63  }
0xb4: {  	_ =	swait.ge [sflag:s7], $0x18000  }
0xb5: {  	[sflag:s7] =	ssyncset.done $0x0  }
0xb6: {  	s9 =	rddreg [dreg:$0x5];
	[sflag:s7] =	ssyncadd.s32 $0xFFFE8000  }
0xb7: {  	[tilespmem:s2], [sflag:$0x2] =	stream.linear.gather [hbm4b:s9+s2], $0x80, $0x38;
	[tilespmem:$0x18080] =	vst v63  }
0xb8: {  	_ =	swait.ge [sflag:s7], $0x80  }
0xb9: {  	[sflag:s7] =	ssyncset.done $0x0  }
0xba: {  	[sflag:s7] =	ssyncadd.s32 $0xFFFFFF80  }
0xbb: {  	v3 =	vld [tilespmem:$0x0];
	_ =	sdelay $0x4  }
0xbc: {  	v56 =	vshrl.u32 v3, $0x3  }
0xbd: {  	v4 =	vmul.u32 $0x30, v56  }
0xbe: {  	v3 =	vand.u32 $0x7, v3  }
0xbf: {  	v3 =	vor.u32 v3, v4  }
0xc0: {  	v4 =	vperm.xlane v3, v0;
	_ =	sdelay $0x1  }
0xc1: {  	v4 =	vadd.s32 v1, v4;
	_ =	sdelay $0x3  }
0xc2: {  	v3 =	vperm.xlane v3, v2  }
0xc3: {  	[tilespmem:s0], [sflag:$0x1] =	stream.indirect_vreg.gather [hbm4b:s3+s2], $0x80, v4, vm0, $0xb8;
	[tilespmem:$0x18080] =	vst v63  }
0xc4: {  	v3 =	vadd.s32 v1, v3  }
0xc5: {  	[tilespmem:s10], [sflag:$0x1] =	stream.indirect_vreg.gather [hbm4b:s4+s2], $0x80, v4, vm0, $0xb8;
	[tilespmem:$0x18080] =	vst v63  }
0xc6: {  	_ = 	snop  }
0xc7: {  	[tilespmem:s11], [sflag:$0x1] =	stream.indirect_vreg.gather [hbm4b:s5+s2], $0x80, v4, vm0, $0xb8;
	[tilespmem:$0x18080] =	vst v63  }
0xc8: {  	_ = 	snop  }
0xc9: {  	[tilespmem:s12], [sflag:$0x1] =	stream.indirect_vreg.gather [hbm4b:s3+s2], $0x80, v3, vm0, $0xb8;
	[tilespmem:$0x18080] =	vst v63  }
0xca: {  	_ = 	snop  }
0xcb: {  	[tilespmem:s13], [sflag:$0x1] =	stream.indirect_vreg.gather [hbm4b:s4+s2], $0x80, v3, vm0, $0xb8;
	[tilespmem:$0x18080] =	vst v63  }
0xcc: {  	_ = 	snop  }
0xcd: {  	[tilespmem:s14], [sflag:$0x1] =	stream.indirect_vreg.gather [hbm4b:s5+s2], $0x80, v3, vm0, $0xb8;
	[tilespmem:$0x18080] =	vst v63  }
0xce: {  	v3 =	vld [tilespmem:$0x10];
	_ =	sdelay $0x4  }
0xcf: {  	v57 =	vshrl.u32 v3, $0x3  }
0xd0: {  	v4 =	vmul.u32 $0x30, v57  }
0xd1: {  	v3 =	vand.u32 $0x7, v3  }
0xd2: {  	v3 =	vor.u32 v3, v4  }
0xd3: {  	v4 =	vperm.xlane v3, v0;
	_ =	sdelay $0x1  }
0xd4: {  	v4 =	vadd.s32 v1, v4;
	_ =	sdelay $0x3  }
0xd5: {  	v3 =	vperm.xlane v3, v2  }
0xd6: {  	[tilespmem:s15], [sflag:$0x1] =	stream.indirect_vreg.gather [hbm4b:s3+s2], $0x80, v4, vm0, $0xb8;
	[tilespmem:$0x18080] =	vst v63  }
0xd7: {  	v3 =	vadd.s32 v1, v3  }
0xd8: {  	[tilespmem:s16], [sflag:$0x1] =	stream.indirect_vreg.gather [hbm4b:s4+s2], $0x80, v4, vm0, $0xb8;
	[tilespmem:$0x18080] =	vst v63  }
0xd9: {  	_ = 	snop  }
0xda: {  	[tilespmem:s17], [sflag:$0x1] =	stream.indirect_vreg.gather [hbm4b:s5+s2], $0x80, v4, vm0, $0xb8;
	[tilespmem:$0x18080] =	vst v63  }
0xdb: {  	_ = 	snop  }
0xdc: {  	[tilespmem:s18], [sflag:$0x1] =	stream.indirect_vreg.gather [hbm4b:s3+s2], $0x80, v3, vm0, $0xb8;
	[tilespmem:$0x18080] =	vst v63  }
0xdd: {  	_ = 	snop  }
0xde: {  	[tilespmem:s19], [sflag:$0x1] =	stream.indirect_vreg.gather [hbm4b:s4+s2], $0x80, v3, vm0, $0xb8;
	[tilespmem:$0x18080] =	vst v63  }
0xdf: {  	_ = 	snop  }
0xe0: {  	[tilespmem:s20], [sflag:$0x1] =	stream.indirect_vreg.gather [hbm4b:s5+s2], $0x80, v3, vm0, $0xb8;
	[tilespmem:$0x18080] =	vst v63  }
0xe1: {  	v3 =	vld [tilespmem:$0x20];
	_ =	sdelay $0x4  }
0xe2: {  	v58 =	vshrl.u32 v3, $0x3  }
0xe3: {  	v4 =	vmul.u32 $0x30, v58  }
0xe4: {  	v3 =	vand.u32 $0x7, v3  }
0xe5: {  	v3 =	vor.u32 v3, v4  }
0xe6: {  	v4 =	vperm.xlane v3, v0;
	_ =	sdelay $0x1  }
0xe7: {  	v4 =	vadd.s32 v1, v4;
	_ =	sdelay $0x3  }
0xe8: {  	v3 =	vperm.xlane v3, v2  }
0xe9: {  	[tilespmem:s21], [sflag:$0x1] =	stream.indirect_vreg.gather [hbm4b:s3+s2], $0x80, v4, vm0, $0xb8;
	[tilespmem:$0x18080] =	vst v63  }
0xea: {  	v3 =	vadd.s32 v1, v3  }
0xeb: {  	[tilespmem:s22], [sflag:$0x1] =	stream.indirect_vreg.gather [hbm4b:s4+s2], $0x80, v4, vm0, $0xb8;
	[tilespmem:$0x18080] =	vst v63  }
0xec: {  	_ = 	snop  }
0xed: {  	[tilespmem:s23], [sflag:$0x1] =	stream.indirect_vreg.gather [hbm4b:s5+s2], $0x80, v4, vm0, $0xb8;
	[tilespmem:$0x18080] =	vst v63  }
0xee: {  	_ = 	snop  }
0xef: {  	[tilespmem:s24], [sflag:$0x1] =	stream.indirect_vreg.gather [hbm4b:s3+s2], $0x80, v3, vm0, $0xb8;
	[tilespmem:$0x18080] =	vst v63  }
0xf0: {  	_ = 	snop  }
0xf1: {  	[tilespmem:s25], [sflag:$0x1] =	stream.indirect_vreg.gather [hbm4b:s4+s2], $0x80, v3, vm0, $0xb8;
	[tilespmem:$0x18080] =	vst v63  }
0xf2: {  	_ = 	snop  }
0xf3: {  	[tilespmem:s26], [sflag:$0x1] =	stream.indirect_vreg.gather [hbm4b:s5+s2], $0x80, v3, vm0, $0xb8;
	[tilespmem:$0x18080] =	vst v63  }
0xf4: {  	v3 =	vld [tilespmem:$0x30];
	_ =	sdelay $0x4  }
0xf5: {  	v59 =	vshrl.u32 v3, $0x3  }
0xf6: {  	v4 =	vmul.u32 $0x30, v59  }
0xf7: {  	v3 =	vand.u32 $0x7, v3  }
0xf8: {  	v3 =	vor.u32 v3, v4  }
0xf9: {  	v4 =	vperm.xlane v3, v0;
	_ =	sdelay $0x1  }
0xfa: {  	v4 =	vadd.s32 v1, v4;
	_ =	sdelay $0x3  }
0xfb: {  	v3 =	vperm.xlane v3, v2  }
0xfc: {  	[tilespmem:s28], [sflag:$0x1] =	stream.indirect_vreg.gather [hbm4b:s3+s2], $0x80, v4, vm0, $0xb8;
	[tilespmem:$0x18080] =	vst v63  }
0xfd: {  	v3 =	vadd.s32 v1, v3  }
0xfe: {  	[tilespmem:s29], [sflag:$0x1] =	stream.indirect_vreg.gather [hbm4b:s4+s2], $0x80, v4, vm0, $0xb8;
	[tilespmem:$0x18080] =	vst v63  }
0xff: {  	_ = 	snop  }
0x100: {  	[tilespmem:s30], [sflag:$0x1] =	stream.indirect_vreg.gather [hbm4b:s5+s2], $0x80, v4, vm0, $0xb8;
	[tilespmem:$0x18080] =	vst v63  }
0x101: {  	_ = 	snop  }
0x102: {  	[tilespmem:s31], [sflag:$0x1] =	stream.indirect_vreg.gather [hbm4b:s3+s2], $0x80, v3, vm0, $0xb8;
	[tilespmem:$0x18080] =	vst v63  }
0x103: {  	_ = 	snop  }
0x104: {  	[tilespmem:s1], [sflag:$0x1] =	stream.indirect_vreg.gather [hbm4b:s4+s2], $0x80, v3, vm0, $0xb8;
	[tilespmem:$0x18080] =	vst v63  }
0x105: {  	s9 =	simm.s32 $0xB880  }
0x106: {  	[tilespmem:s9], [sflag:$0x1] =	stream.indirect_vreg.gather [hbm4b:s5+s2], $0x80, v3, vm0, $0xb8;
	[tilespmem:$0x18080] =	vst v63  }
0x107: {  	v3 =	vld [tilespmem:$0x40];
	_ =	sdelay $0x4  }
0x108: {  	v60 =	vshrl.u32 v3, $0x3  }
0x109: {  	v4 =	vmul.u32 $0x30, v60  }
0x10a: {  	v3 =	vand.u32 $0x7, v3  }
0x10b: {  	v3 =	vor.u32 v3, v4  }
0x10c: {  	v4 =	vperm.xlane v3, v0;
	_ =	sdelay $0x1  }
0x10d: {  	v4 =	vadd.s32 v1, v4;
	_ =	sdelay $0x3  }
0x10e: {  	s1 =	simm.s32 $0xC080;
	v3 =	vperm.xlane v3, v2  }
0x10f: {  	[tilespmem:s1], [sflag:$0x1] =	stream.indirect_vreg.gather [hbm4b:s3+s2], $0x80, v4, vm0, $0xb8;
	[tilespmem:$0x18080] =	vst v63  }
0x110: {  	s9 =	simm.s32 $0xC880;
	v3 =	vadd.s32 v1, v3  }
0x111: {  	[tilespmem:s9], [sflag:$0x1] =	stream.indirect_vreg.gather [hbm4b:s4+s2], $0x80, v4, vm0, $0xb8;
	[tilespmem:$0x18080] =	vst v63  }
0x112: {  	s1 =	simm.s32 $0xD080  }
0x113: {  	[tilespmem:s1], [sflag:$0x1] =	stream.indirect_vreg.gather [hbm4b:s5+s2], $0x80, v4, vm0, $0xb8;
	[tilespmem:$0x18080] =	vst v63  }
0x114: {  	s9 =	simm.s32 $0xD880  }
0x115: {  	[tilespmem:s9], [sflag:$0x1] =	stream.indirect_vreg.gather [hbm4b:s3+s2], $0x80, v3, vm0, $0xb8;
	[tilespmem:$0x18080] =	vst v63  }
0x116: {  	s1 =	simm.s32 $0xE080  }
0x117: {  	[tilespmem:s1], [sflag:$0x1] =	stream.indirect_vreg.gather [hbm4b:s4+s2], $0x80, v3, vm0, $0xb8;
	[tilespmem:$0x18080] =	vst v63  }
0x118: {  	s9 =	simm.s32 $0xE880  }
0x119: {  	[tilespmem:s9], [sflag:$0x1] =	stream.indirect_vreg.gather [hbm4b:s5+s2], $0x80, v3, vm0, $0xb8;
	[tilespmem:$0x18080] =	vst v63  }
0x11a: {  	v3 =	vld [tilespmem:$0x50];
	_ =	sdelay $0x4  }
0x11b: {  	v61 =	vshrl.u32 v3, $0x3  }
0x11c: {  	v4 =	vmul.u32 $0x30, v61  }
0x11d: {  	v3 =	vand.u32 $0x7, v3  }
0x11e: {  	v3 =	vor.u32 v3, v4  }
0x11f: {  	v4 =	vperm.xlane v3, v0;
	_ =	sdelay $0x1  }
0x120: {  	v4 =	vadd.s32 v1, v4;
	_ =	sdelay $0x3  }
0x121: {  	s1 =	simm.s32 $0xF080;
	v3 =	vperm.xlane v3, v2  }
0x122: {  	[tilespmem:s1], [sflag:$0x1] =	stream.indirect_vreg.gather [hbm4b:s3+s2], $0x80, v4, vm0, $0xb8;
	[tilespmem:$0x18080] =	vst v63  }
0x123: {  	s9 =	simm.s32 $0xF880;
	v3 =	vadd.s32 v1, v3  }
0x124: {  	[tilespmem:s9], [sflag:$0x1] =	stream.indirect_vreg.gather [hbm4b:s4+s2], $0x80, v4, vm0, $0xb8;
	[tilespmem:$0x18080] =	vst v63  }
0x125: {  	s1 =	simm.s32 $0x10080  }
0x126: {  	[tilespmem:s1], [sflag:$0x1] =	stream.indirect_vreg.gather [hbm4b:s5+s2], $0x80, v4, vm0, $0xb8;
	[tilespmem:$0x18080] =	vst v63  }
0x127: {  	s9 =	simm.s32 $0x10880  }
0x128: {  	[tilespmem:s9], [sflag:$0x1] =	stream.indirect_vreg.gather [hbm4b:s3+s2], $0x80, v3, vm0, $0xb8;
	[tilespmem:$0x18080] =	vst v63  }
0x129: {  	s1 =	simm.s32 $0x11080  }
0x12a: {  	[tilespmem:s1], [sflag:$0x1] =	stream.indirect_vreg.gather [hbm4b:s4+s2], $0x80, v3, vm0, $0xb8;
	[tilespmem:$0x18080] =	vst v63  }
0x12b: {  	s9 =	simm.s32 $0x11880  }
0x12c: {  	[tilespmem:s9], [sflag:$0x1] =	stream.indirect_vreg.gather [hbm4b:s5+s2], $0x80, v3, vm0, $0xb8;
	[tilespmem:$0x18080] =	vst v63  }
0x12d: {  	v3 =	vld [tilespmem:$0x60];
	_ =	sdelay $0x4  }
0x12e: {  	v62 =	vshrl.u32 v3, $0x3  }
0x12f: {  	v4 =	vmul.u32 $0x30, v62  }
0x130: {  	v3 =	vand.u32 $0x7, v3  }
0x131: {  	v3 =	vor.u32 v3, v4  }
0x132: {  	v4 =	vperm.xlane v3, v0;
	_ =	sdelay $0x1  }
0x133: {  	v4 =	vadd.s32 v1, v4;
	_ =	sdelay $0x3  }
0x134: {  	s1 =	simm.s32 $0x12080;
	v3 =	vperm.xlane v3, v2  }
0x135: {  	[tilespmem:s1], [sflag:$0x1] =	stream.indirect_vreg.gather [hbm4b:s3+s2], $0x80, v4, vm0, $0xb8;
	[tilespmem:$0x18080] =	vst v63  }
0x136: {  	s9 =	simm.s32 $0x12880;
	v3 =	vadd.s32 v1, v3  }
0x137: {  	[tilespmem:s9], [sflag:$0x1] =	stream.indirect_vreg.gather [hbm4b:s4+s2], $0x80, v4, vm0, $0xb8;
	[tilespmem:$0x18080] =	vst v63  }
0x138: {  	s1 =	simm.s32 $0x13080  }
0x139: {  	[tilespmem:s1], [sflag:$0x1] =	stream.indirect_vreg.gather [hbm4b:s5+s2], $0x80, v4, vm0, $0xb8;
	[tilespmem:$0x18080] =	vst v63  }
0x13a: {  	s9 =	simm.s32 $0x13880  }
0x13b: {  	[tilespmem:s9], [sflag:$0x1] =	stream.indirect_vreg.gather [hbm4b:s3+s2], $0x80, v3, vm0, $0xb8;
	[tilespmem:$0x18080] =	vst v63  }
0x13c: {  	s1 =	simm.s32 $0x14080  }
0x13d: {  	[tilespmem:s1], [sflag:$0x1] =	stream.indirect_vreg.gather [hbm4b:s4+s2], $0x80, v3, vm0, $0xb8;
	[tilespmem:$0x18080] =	vst v63  }
0x13e: {  	s9 =	simm.s32 $0x14880  }
0x13f: {  	[tilespmem:s9], [sflag:$0x1] =	stream.indirect_vreg.gather [hbm4b:s5+s2], $0x80, v3, vm0, $0xb8;
	[tilespmem:$0x18080] =	vst v63  }
0x140: {  	v3 =	vld [tilespmem:$0x70];
	_ =	sdelay $0x4  }
0x141: {  	v63 =	vshrl.u32 v3, $0x3  }
0x142: {  	v4 =	vmul.u32 $0x30, v63  }
0x143: {  	v3 =	vand.u32 $0x7, v3  }
0x144: {  	v3 =	vor.u32 v3, v4  }
0x145: {  	v4 =	vperm.xlane v3, v0;
	_ =	sdelay $0x1  }
0x146: {  	v4 =	vadd.s32 v1, v4;
	_ =	sdelay $0x3  }
0x147: {  	s1 =	simm.s32 $0x15080;
	v3 =	vperm.xlane v3, v2  }
0x148: {  	[tilespmem:s1], [sflag:$0x1] =	stream.indirect_vreg.gather [hbm4b:s3+s2], $0x80, v4, vm0, $0xb8;
	[tilespmem:$0x18080] =	vst v63  }
0x149: {  	s9 =	simm.s32 $0x15880;
	v3 =	vadd.s32 v1, v3  }
0x14a: {  	[tilespmem:s9], [sflag:$0x1] =	stream.indirect_vreg.gather [hbm4b:s4+s2], $0x80, v4, vm0, $0xb8;
	[tilespmem:$0x18080] =	vst v63  }
0x14b: {  	s1 =	simm.s32 $0x16080  }
0x14c: {  	[tilespmem:s1], [sflag:$0x1] =	stream.indirect_vreg.gather [hbm4b:s5+s2], $0x80, v4, vm0, $0xb8;
	[tilespmem:$0x18080] =	vst v63  }
0x14d: {  	s9 =	simm.s32 $0x16880  }
0x14e: {  	[tilespmem:s9], [sflag:$0x1] =	stream.indirect_vreg.gather [hbm4b:s3+s2], $0x80, v3, vm0, $0xb8;
	[tilespmem:$0x18080] =	vst v63  }
0x14f: {  	s1 =	simm.s32 $0x17080  }
0x150: {  	[tilespmem:s1], [sflag:$0x1] =	stream.indirect_vreg.gather [hbm4b:s4+s2], $0x80, v3, vm0, $0xb8;
	[tilespmem:$0x18080] =	vst v63  }
0x151: {  	s9 =	simm.s32 $0x17880  }
0x152: {  	[tilespmem:s9], [sflag:$0x1] =	stream.indirect_vreg.gather [hbm4b:s5+s2], $0x80, v3, vm0, $0xb8;
	[tilespmem:$0x18080] =	vst v63  }
0x153: {  	_ =	swait.ge [sflag:s8], $0x18000  }
0x154: {  	p0 =	sne.s32 s6, $0x1;
	s1 =	simm.s32 $0x80;
	[sflag:s8] =	ssyncset.done $0x0  }
.Ltmp0:
0x155: {  	s0 =	rddreg [dreg:$0x6];
	[sflag:s8] =	ssyncadd.s32 $0xFFFE8000;
	(pc) =	sbr.rel @p0 .LBB2_1-.Ltmp0, $4  }
0x156: {  	[hbm4b:s0+s2] =	stream.linear.scatter [tilespmem:s1], [sflag:$0x2], $0x18000, $0x38;
	[tilespmem:$0x18080] =	vst v63  }
0x157: {  	_ =	swait.ge [sflag:s7], $0x18000  }
0x158: {  	[sflag:s7] =	ssyncset.done $0x0  }
0x159: {  	s6 =	sadd.s32 $0xFFFFFFFF, s6;
	[sflag:s7] =	ssyncadd.s32 $0xFFFE8000  }
0x15a: {  	_ =	sfence.sel $0x180000  }
0x15b: {  	[bflag:$0x0] =	sbarrier.arrive $0xFFFF  }
0x15c: {  	_ =	strace $0x9000004A  }
0x15d: {  	s0 =	stileid.u32;
	[bflag:$0x2] =	sbarrier.arrive $0xFFFF  }
0x15e: {  	p0 =	sne.s32 s0, $0x0;
	s0 =	rddreg [dreg:$0x2]  }
0x15f: {  	s0 =	sadd.s32 @!p0 $0x100000, s0  }
0x160: {  	[sflag:s0] =	ssyncadd.tile.s32 @!p0 $0x1;
	_ =	shalt  }
.Lfunc_end2:
_tile_overlayer_lowered:
.L_overlay_start_2:
0x161: {  	(tag) =	ssettag $0x2  }
0x162: {  	s0 =	rddreg [dreg:$0x0];
	s2 =	stileid.u32  }
0x163: {  	s1 =	rddreg [dreg:$0x1];
	p0 =	sne.s32 s2, $0x0  }
0x164: {  	s3 =	rddreg [dreg:$0x2];
	[bflag:$0x3] =	sbarrier.arrive $0xFFFF;
	s2 =	simm.s32 @!p0 $0x1C02  }
0x165: {  	[timem:s3], [sflag:s2] =	dma.local @!p0 [hbm:s0], s1  }
0x166: {  	s0 =	simm.s32 @!p0 $0x2  }
0x167: {  	_ =	swait.ge @!p0 [sflag:s0], s1  }
0x168: {  	s1 =	ssub.s32 @!p0 $0x0, s1;
	[sflag:s0] =	ssyncset.done @!p0 $0x0  }
0x169: {  	[sflag:s0] =	ssyncadd.s32 @!p0 s1  }
0x16a: {  	[bflag:$0x3] =	sbarrier.arrive $0xFFFF  }
0x16b: {  	_ =	shalt  }

// kernel: kernel.7.cloned.1.call-start
scs
__scs_entry_jumppad:
0x0: {  	(pc) =	sbr.rel $0x88, $3  }
0x1: {  	(tag) =	ssettag $0x0;
	lr =	simm.s32 $0x1  }
0x2: {  	[smem:$0x3F9C] =	sst lr;
	_ =	strace $0xD0000000  }
0x3: {  	_ = 	snop  }
0x4: {  	_ = 	snop  }
0x5: {  	_ = 	snop  }
0x6: {  	_ = 	snop  }
0x7: {  	_ = 	snop  }
__scs_overlays_trampoline_lowered:
0x8: {  	[smem:$0x3FAB] =	sst s0  }
0x9: {  	[smem:$0x3FAC] =	sst s1  }
0xa: {  	[smem:$0x3FAD] =	sst s2  }
0xb: {  	[smem:$0x3FAE] =	sst s3  }
0xc: {  	[smem:$0x3FAF] =	sst s4  }
0xd: {  	[smem:$0x3FB0] =	sst s5  }
0xe: {  	[smem:$0x3FB1] =	sst s6  }
0xf: {  	[smem:$0x3FB2] =	sst s7  }
0x10: {  	[smem:$0x3FB3] =	sst s8  }
0x11: {  	[smem:$0x3FB4] =	sst s9;
	s0 =	simm.s32 @!p0 $0x0  }
0x12: {  	s1 =	sld [smem:$0x3F9A];
	s0 =	simm.s32 @p0 $0x1  }
0x13: {  	[smem:$0x3FB5] =	sst s0;
	s0 =	simm.s32 @!p1 $0x0  }
0x14: {  	s2 =	sld [smem:$0x3F99];
	s0 =	simm.s32 @p1 $0x1  }
0x15: {  	[smem:$0x3FB6] =	sst s0;
	s0 =	simm.s32 @!p2 $0x0  }
0x16: {  	s3 =	sld [smem:$0x3FDB];
	s0 =	simm.s32 @p2 $0x1  }
0x17: {  	s4 =	simm.s32 $0x1BF5;
	[smem:$0x3FB8] =	sst s0  }
0x18: {  	s0 =	sld [smem:$0x3F9B];
	_ =	swait.ge [sflag:s4], $0x0  }
0x19: {  	s7 =	sld [smem:$0x3F9C]  }
0x1a: {  	s8 =	sadd.s32 $0xFFFFE003, lr  }
0x1b: {  	s9 =	sadd.s32 $0xFFFFFEF7, lr;
	s5 =	simm.s32 $0xFFFFFFFF;
	p2 =	slt.u32 s8, $0xFFFFF086  }
0x1c: {  	p1 =	slt.u32 s9, $0xF7A;
	s5 =	simm.s32 @!p2 $0x0  }
0x1d: {  	s5 =	simm.s32 @p1 $0x1;
	p0 =	seq.s32 s7, s2  }
0x1e: {  	s7 =	smul.u32 @!p0 $0xF7A, s2;
	p2 =	seq.s32 @!p0 s5, $0x0  }
0x1f: {  	s9 =	smul.u32 $0xF7A, s1;
	s8 =	simm.s32 @!p0 $0x1BF5;
	p2 =	por !p2, p0  }
0x20: {  	[sflag:s8] =	ssyncset.s32 @!p0 $0xFFFFF086;
	s6 =	sadd.s32 @!p0 s3, s7;
	s7 =	simm.s32 @!p0 $0x108  }
0x21: {  	s3 =	sadd.s32 s3, s9;
	s6 =	sadd.s32 @!p0 $0x88, s6;
	s7 =	simm.s32 @p2 $0x1082  }
0x22: {  	[simem:s7], [sflag:s8] =	dma.local @!p0 [hbm:s6], $0xF7A  }
0x23: {  	s9 =	sor.u32 $0xD0000000, s2;
	s6 =	simm.s32 $0x108;
	_ =	swait.ge @!p0 [sflag:s8], $0x0  }
0x24: {  	s3 =	sadd.s32 $0x88, s3;
	s6 =	simm.s32 @!p1 $0x1082;
	[sflag:s4] =	ssyncset.s32 $0xFFFFF086  }
0x25: {  	[simem:s6], [sflag:s4] =	dma.local [hbm:s3], $0xF7A  }
0x26: {  	[smem:$0x3F9C] =	sst s1;
	(tag) =	ssettag s2;
	_ =	strace s9  }
0x27: {  	s1 =	sld [smem:$0x3FAC]  }
0x28: {  	s2 =	sld [smem:$0x3FAD]  }
0x29: {  	s4 =	sld [smem:$0x3FAF]  }
0x2a: {  	p0 =	seq.s32 s5, $0x0;
	s5 =	sld [smem:$0x3FB0]  }
0x2b: {  	s6 =	sld [smem:$0x3FB1]  }
0x2c: {  	s7 =	sld [smem:$0x3FB2]  }
0x2d: {  	s3 =	simm.s32 $0x108;
	s8 =	sld [smem:$0x3FB3]  }
0x2e: {  	s3 =	simm.s32 @!p0 $0x1082;
	s9 =	sld [smem:$0x3FB4]  }
0x2f: {  	lr =	sadd.s32 s0, s3;
	s0 =	sld [smem:$0x3FAB]  }
0x30: {  	s3 =	sld [smem:$0x3FAE]  }
0x31: {  	[smem:$0x3FB7] =	sst s10  }
0x32: {  	s10 =	sld [smem:$0x3FB5];
	_ =	sdelay $0x3  }
0x33: {  	p0 =	seq.s32 s10, $0x1;
	s10 =	sld [smem:$0x3FB7];
	_ =	sdelay $0x3  }
0x34: {  	[smem:$0x3FB7] =	sst s10  }
0x35: {  	s10 =	sld [smem:$0x3FB6];
	_ =	sdelay $0x3  }
0x36: {  	p1 =	seq.s32 s10, $0x1;
	s10 =	sld [smem:$0x3FB7];
	_ =	sdelay $0x3  }
0x37: {  	[smem:$0x3FB7] =	sst s10  }
0x38: {  	s10 =	sld [smem:$0x3FB8]  }
0x39: {  	_ = 	snop;
	(pc) =	sbr.ind lr, $3  }
0x3a: {  	_ = 	snop  }
0x3b: {  	_ = 	snop  }
0x3c: {  	p2 =	seq.s32 s10, $0x1;
	s10 =	sld [smem:$0x3FB7]  }
0x3d: {  	_ =	shalt  }
0x3e: {  	_ =	shalt  }
0x3f: {  	_ =	shalt  }
0x40: {  	_ =	shalt  }
0x41: {  	_ =	shalt  }
0x42: {  	_ =	shalt  }
0x43: {  	_ =	shalt  }
0x44: {  	_ =	shalt  }
0x45: {  	_ =	shalt  }
0x46: {  	_ =	shalt  }
0x47: {  	_ =	shalt  }
0x48: {  	_ =	shalt  }
0x49: {  	_ =	shalt  }
0x4a: {  	_ =	shalt  }
0x4b: {  	_ =	shalt  }
0x4c: {  	_ =	shalt  }
0x4d: {  	_ =	shalt  }
0x4e: {  	_ =	shalt  }
0x4f: {  	_ =	shalt  }
0x50: {  	_ =	shalt  }
0x51: {  	_ =	shalt  }
0x52: {  	_ =	shalt  }
0x53: {  	_ =	shalt  }
0x54: {  	_ =	shalt  }
0x55: {  	_ =	shalt  }
0x56: {  	_ =	shalt  }
0x57: {  	_ =	shalt  }
0x58: {  	_ =	shalt  }
0x59: {  	_ =	shalt  }
0x5a: {  	_ =	shalt  }
0x5b: {  	_ =	shalt  }
0x5c: {  	_ =	shalt  }
0x5d: {  	_ =	shalt  }
0x5e: {  	_ =	shalt  }
0x5f: {  	_ =	shalt  }
0x60: {  	_ =	shalt  }
0x61: {  	_ =	shalt  }
0x62: {  	_ =	shalt  }
0x63: {  	_ =	shalt  }
0x64: {  	_ =	shalt  }
0x65: {  	_ =	shalt  }
0x66: {  	_ =	shalt  }
0x67: {  	_ =	shalt  }
0x68: {  	_ =	shalt  }
0x69: {  	_ =	shalt  }
0x6a: {  	_ =	shalt  }
0x6b: {  	_ =	shalt  }
0x6c: {  	_ =	shalt  }
0x6d: {  	_ =	shalt  }
0x6e: {  	_ =	shalt  }
0x6f: {  	_ =	shalt  }
0x70: {  	_ =	shalt  }
0x71: {  	_ =	shalt  }
0x72: {  	_ =	shalt  }
0x73: {  	_ =	shalt  }
0x74: {  	_ =	shalt  }
0x75: {  	_ =	shalt  }
0x76: {  	_ =	shalt  }
0x77: {  	_ =	shalt  }
0x78: {  	_ =	shalt  }
0x79: {  	_ =	shalt  }
0x7a: {  	_ =	shalt  }
0x7b: {  	_ =	shalt  }
0x7c: {  	_ =	shalt  }
0x7d: {  	_ =	shalt  }
0x7e: {  	_ =	shalt  }
0x7f: {  	_ =	shalt  }
0x80: {  	_ =	shalt  }
0x81: {  	_ =	shalt  }
0x82: {  	_ =	shalt  }
0x83: {  	_ =	shalt  }
0x84: {  	_ =	shalt  }
0x85: {  	_ =	shalt  }
0x86: {  	_ =	shalt  }
0x87: {  	_ =	shalt  }
.Lfunc_end0:
.L_simem_size_0:
called_computation_lowered:
.L_overlay_start_0:
0x88: {  	s2 =	sld [smem:$0x3FD9]  }
0x89: {  	s3 =	sld [smem:$0x3FFE];
	_ =	sdelay $0x1  }
0x8a: {  	s1 =	srdreg.scid  }
0x8b: {  	s0 =	sand.u32 $0x1, s1  }
0x8c: {  	s14 =	sshll.u32 s0, $0xA;
	s2 =	sadd.s32 s3, s2  }
0x8d: {  	s2 =	sadd.s32 s2, s14  }
0x8e: {  	[smem:$0x3FC3] =	sst s2  }
0x8f: {  	_ = 	snop  }
0x90: {  	s2 =	sld [smem:$0x3FD0];
	_ =	sdelay $0x2  }
0x91: {  	s4 =	simm.s32 $0xA;
	s5 =	simm.s32 $0x10;
	s15 =	sld [smem:$0x3FC9]  }
0x92: {  	[smem:s5], [sflag:s4] =	dma.local [hbm:s2], $0x1  }
0x93: {  	_ =	swait.eq [sflag:s4], $0x1  }
0x94: {  	[sflag:s4] =	ssyncset.done $0x0  }
0x95: {  	[sflag:s4] =	ssyncadd.s32 $0xFFFFFFFF  }
0x96: {  	s16 =	sld [smem:$0x10];
	(tm) =	ssettm $0x1  }
0x97: {  	s17 =	sld [smem:$0x3FFB];
	_ =	sdelay $0x3  }
0x98: {  	_ =	strace s17  }
0x99: {  	s4 =	sld [smem:$0x3FFC];
	_ =	sdelay $0x3  }
0x9a: {  	_ =	strace s4  }
0x9b: {  	s4 =	sld [smem:$0x3FFD];
	_ =	sdelay $0x3  }
0x9c: {  	_ =	strace s4  }
0x9d: {  	_ =	strace $0x8FFFFFFF  }
0x9e: {  	s18 =	sld [smem:$0x3FDB];
	_ =	sdelay $0x1  }
0x9f: {  	s19 =	simm.s32 $_scs_section_size  }
0xa0: {  	s6 =	simm.s32 $_size__tile_overlayer_lowered;
	s7 =	simm.s32 $_tile_overlayer_lowered  }
0xa1: {  	s22 =	simm.s32 $0x1BFF;
	s21 =	sshll.u32 s7, $0x1;
	s4 =	sadd.s32 s19, s18  }
0xa2: {  	s8 =	simm.s32 $0x0;
	s20 =	sshll.u32 s6, $0x1;
	s6 =	sadd.s32 s21, s4  }
0xa3: {  	[timem:s8], [sflag:s22] =	dma.local [hbm:s6], s20  }
0xa4: {  	_ =	swait.ge [sflag:s22], s20  }
0xa5: {  	s5 =	ssub.s32 $0x0, s20;
	[sflag:s22] =	ssyncset.done $0x0  }
0xa6: {  	[sflag:s22] =	ssyncadd.s32 s5;
	_ =	sdelay $0x1  }
0xa7: {  	s23 =	simm.s32 $0x1B8B  }
0xa8: {  	_ =	swait.ge [sflag:s23], $0x1  }
0xa9: {  	[sflag:s23] =	ssyncset.done $0x0  }
0xaa: {  	s25 =	simm.s32 $0x1B8E;
	s24 =	sld [smem:$0x3FFE];
	[sflag:s23] =	ssyncadd.s32 $0xFFFFFFFF  }
0xab: {  	s26 =	simm.s32 $execute0_lowered;
	[smem:$0x3FD2] =	sst s25  }
0xac: {  	s6 =	sshll.u32 s26, $0x1;
	_ =	strace $0x80000046;
	[dreg:$0x1] =	wrdreg $0xFFFFFFFF  }
0xad: {  	s28 =	simm.s32 $_size_execute0_lowered;
	s4 =	sadd.s32 s4, s6;
	[dreg:$0x0] =	wrdreg $0x0  }
0xae: {  	s6 =	sshll.u32 s28, $0x1;
	[dreg:$0x2] =	wrdreg s4  }
0xaf: {  	[dreg:$0x3] =	wrdreg s6  }
0xb0: {  	[dreg:$0x4] =	wrdreg $0xC0  }
0xb1: {  	_ =	task [dreg:s8], $0x5FFFF  }
0xb2: {  	[dreg:$0x1] =	wrdreg $0xFFFFFFFF  }
0xb3: {  	[dreg:$0x0] =	wrdreg $0x60  }
0xb4: {  	[dreg:$0x2] =	wrdreg s15  }
0xb5: {  	[dreg:$0x3] =	wrdreg s16  }
0xb6: {  	[dreg:$0x4] =	wrdreg s24  }
0xb7: {  	[dreg:$0x5] =	wrdreg $0x9  }
0xb8: {  	_ =	task.clear_ibuf [dreg:s8], $0x6FFFF;
	_ =	strace $0x90000046  }
0xb9: {  	s29 =	simm.s32 $0x9;
	_ =	strace $0x80000048  }
0xba: {  	_ =	swait.ge [sflag:s29], $0x1  }
0xbb: {  	[sflag:s29] =	ssyncadd.s32 $0xFFFFFFFF  }
0xbc: {  	_ =	strace $0x90000048  }
0xbd: {  	_ =	sfence  }
0xbe: {  	s30 =	sld [smem:$0x0];
	_ =	sdelay $0x2  }
0xbf: {  	s31 =	sshll.u32 s1, $0xD;
	s1 =	sshrl.u32 s1, $0x2  }
0xc0: {  	s3 =	sand.u32 $0x4000, s31;
	s1 =	sadd.s32 s1, s30  }
0xc1: {  	s0 =	sor.u32 s3, s0;
	s1 =	sshll.u32 s1, $0x11  }
0xc2: {  	s0 =	sor.u32 s1, s0  }
0xc3: {  	s0 =	sadd.s32 $0x8F2B, s0  }
0xc4: {  	[sflag:s0] =	ssyncadd.remote.s32 $0x1  }
0xc5: {  	_ =	sfence.sel $0xFFFF  }
0xc6: {  	[dreg:$0x0] =	wrdreg $0xFFFFFFFF;
	(pc) =	sbr.abs _section_cstart, $3  }
0xc7: {  	[dreg:$0x1] =	wrdreg $0xFFFFFFFF  }
0xc8: {  	_ =	task.clear_ibuf [dreg:s8], $0x2FFFF;
	_ =	strace $0x9FFFFFFF  }
0xc9: {  	(tm) =	ssettm $0x7FFFFFFF  }
tec
execute0_lowered:
.L_overlay_start_1:
0x0: {  	(tag) =	ssettag $0x1  }
0x1: {  	s1 =	srdreg.scid  }
0x2: {  	s0 =	stileid.u32;
	s4 =	rddreg [dreg:$0x0];
	s1 =	sand.u32 $0x1, s1  }
0x3: {  	s5 =	rddreg [dreg:$0x1];
	s2 =	sshll.u32 s0, $0x5;
	s3 =	sshll.u32 s1, $0x4  }
0x4: {  	s6 =	sor.u32 s3, s2;
	s2 =	rddreg [dreg:$0x2];
	s3 =	simm.s32 $0x0  }
0x5: {  	[smem:$0x7FF] =	sst s3;
	s23 =	sadd.s32 s5, s6  }
0x6: {  	s24 =	simm.s32 $0x880;
	_ =	strace $0x80000047;
	[dreg:$0x5] =	wrdreg s23  }
0x7: {  	s25 =	simm.s32 $0x1080;
	[dreg:$0x6] =	wrdreg s24  }
0x8: {  	s26 =	simm.s32 $0x1880;
	[dreg:$0x7] =	wrdreg s25  }
0x9: {  	s0 =	simm.s32 $0x2080;
	[dreg:$0x8] =	wrdreg s26  }
0xa: {  	s5 =	simm.s32 $0x2880;
	[dreg:$0x9] =	wrdreg s0  }
0xb: {  	s7 =	sand.u32 $0xF0, s6;
	s6 =	simm.s32 $0x3080;
	[dreg:$0xa] =	wrdreg s5  }
0xc: {  	s8 =	simm.s32 $0x4080;
	[dreg:$0xb] =	wrdreg s6  }
0xd: {  	s9 =	simm.s32 $0x4880;
	[dreg:$0xd] =	wrdreg s8  }
0xe: {  	s10 =	simm.s32 $0x5080;
	[dreg:$0xe] =	wrdreg s9  }
0xf: {  	s11 =	simm.s32 $0x5880;
	[dreg:$0xf] =	wrdreg s10  }
0x10: {  	s12 =	simm.s32 $0x6080;
	[dreg:$0x10] =	wrdreg s11  }
0x11: {  	s13 =	simm.s32 $0x6880;
	[dreg:$0x11] =	wrdreg s12  }
0x12: {  	s14 =	simm.s32 $0x7080;
	s15 =	simm.s32 $0x7880;
	[dreg:$0x12] =	wrdreg s13  }
0x13: {  	s16 =	simm.s32 $0x8080;
	s17 =	simm.s32 $0x8880;
	[dreg:$0x13] =	wrdreg s14  }
0x14: {  	s18 =	simm.s32 $0x9080;
	s20 =	simm.s32 $0x9880;
	[dreg:$0x14] =	wrdreg s15  }
0x15: {  	s21 =	simm.s32 $0xA080;
	s22 =	simm.s32 $0xA880;
	[dreg:$0x15] =	wrdreg s16  }
0x16: {  	s28 =	simm.s32 $0x16080;
	s29 =	simm.s32 $0x16880;
	[dreg:$0x16] =	wrdreg s17  }
0x17: {  	s30 =	simm.s32 $0x17080;
	s1 =	ssub.s32 $0x2, s1;
	[dreg:$0x17] =	wrdreg s18  }
0x18: {  	s31 =	simm.s32 $0x17880;
	s19 =	sshrl.u32 s1, $0x1;
	[dreg:$0x18] =	wrdreg s20  }
0x19: {  	s1 =	ssub.s32 s1, s19;
	s19 =	simm.s32 $0x12080;
	[dreg:$0x19] =	wrdreg s21  }
0x1a: {  	s7 =	smul.u32 $0x300, s7;
	s5 =	sadd.s32 $0x200, s2;
	[dreg:$0x1a] =	wrdreg s22  }
0x1b: {  	s23 =	simm.s32 $0xB080;
	s6 =	smax.u32 s1, $0x1;
	s24 =	simm.s32 $0xB880  }
0x1c: {  	s25 =	simm.s32 $0xC080;
	s8 =	simm.s32 $0x2;
	s26 =	simm.s32 $0xC880  }
0x1d: {  	s10 =	simm.s32 $0xD880;
	s11 =	simm.s32 $0xE080;
	s12 =	simm.s32 $0xE880  }
0x1e: {  	s13 =	simm.s32 $0xF080;
	s14 =	simm.s32 $0xF880;
	s15 =	simm.s32 $0x10080  }
0x1f: {  	s16 =	simm.s32 $0x10880;
	s17 =	simm.s32 $0x11080;
	[dreg:$0x1b] =	wrdreg s23  }
0x20: {  	s18 =	simm.s32 $0x11880;
	s20 =	simm.s32 $0x12880;
	[dreg:$0x1c] =	wrdreg s24  }
0x21: {  	s21 =	simm.s32 $0x13080;
	s22 =	simm.s32 $0x13880;
	[dreg:$0x1d] =	wrdreg s25  }
0x22: {  	s1 =	simm.s32 $0x1;
	[dreg:$0x1e] =	wrdreg s26;
	s23 =	simm.s32 $0x14080  }
0x23: {  	v2 =	vlaneseq.u32;
	s24 =	simm.s32 $0x14880;
	s25 =	simm.s32 $0x15080;
	s4 =	sadd.s32 s4, s7  }
0x24: {  	vm0 =	vmmov $0xffff;
	v1 =	vshrl.u32 v2, $0x3;
	s26 =	simm.s32 $0x15880;
	s7 =	simm.s32 $0x3880;
	[dreg:$0x4] =	wrdreg s4  }
0x25: {  	v0 =	vand.u32 $0x7, v2;
	v2 =	vor.u32 $0x8, v2;
	v1 =	vmul.u32 $0x8, v1;
	[dreg:$0xc] =	wrdreg s7;
	s4 =	sadd.s32 $0x100, s2;
	s7 =	simm.s32 $0x80  }
.LBB2_1:
0x26: {  	s0 =	rddreg [dreg:$0x4]  }
0x27: {  	[tilespmem:s7], [sflag:$0x2] =	stream.linear.gather [hbm4b:s0+s3], $0x18000, $0x38;
	[tilespmem:$0x18080] =	vst v63  }
0x28: {  	_ =	swait.ge [sflag:s8], $0x18000  }
0x29: {  	[sflag:s8] =	ssyncset.done $0x0  }
0x2a: {  	s9 =	rddreg [dreg:$0x5];
	[sflag:s8] =	ssyncadd.s32 $0xFFFE8000  }
0x2b: {  	[tilespmem:s3], [sflag:$0x2] =	stream.linear.gather [hbm4b:s9+s3], $0x80, $0x38;
	[tilespmem:$0x18080] =	vst v63  }
0x2c: {  	_ =	swait.ge [sflag:s8], $0x80  }
0x2d: {  	[sflag:s8] =	ssyncset.done $0x0  }
0x2e: {  	[sflag:s8] =	ssyncadd.s32 $0xFFFFFF80  }
0x2f: {  	v3 =	vld [tilespmem:$0x0];
	_ =	sdelay $0x4  }
0x30: {  	v4 =	vshrl.u32 v3, $0x3  }
0x31: {  	v4 =	vmul.u32 $0x30, v4  }
0x32: {  	v3 =	vand.u32 $0x7, v3  }
0x33: {  	v3 =	vor.u32 v3, v4  }
0x34: {  	v4 =	vperm.xlane v3, v0;
	_ =	sdelay $0x1  }
0x35: {  	v4 =	vadd.s32 v1, v4;
	_ =	sdelay $0x3  }
0x36: {  	v3 =	vperm.xlane v3, v2  }
0x37: {  	[hbm4b:s2+s3] =	stream.indirect_vreg.scatter [tilespmem:s7], [sflag:$0x1], $0x80, v4, vm0, $0xb8;
	[tilespmem:$0x18080] =	vst v63  }
0x38: {  	s0 =	rddreg [dreg:$0x6];
	v3 =	vadd.s32 v1, v3  }
0x39: {  	[hbm4b:s4+s3] =	stream.indirect_vreg.scatter [tilespmem:s0], [sflag:$0x1], $0x80, v4, vm0, $0xb8;
	[tilespmem:$0x18080] =	vst v63  }
0x3a: {  	s9 =	rddreg [dreg:$0x7]  }
0x3b: {  	[hbm4b:s5+s3] =	stream.indirect_vreg.scatter [tilespmem:s9], [sflag:$0x1], $0x80, v4, vm0, $0xb8;
	[tilespmem:$0x18080] =	vst v63  }
0x3c: {  	s0 =	rddreg [dreg:$0x8]  }
0x3d: {  	[hbm4b:s2+s3] =	stream.indirect_vreg.scatter [tilespmem:s0], [sflag:$0x1], $0x80, v3, vm0, $0xb8;
	[tilespmem:$0x18080] =	vst v63  }
0x3e: {  	s9 =	rddreg [dreg:$0x9]  }
0x3f: {  	[hbm4b:s4+s3] =	stream.indirect_vreg.scatter [tilespmem:s9], [sflag:$0x1], $0x80, v3, vm0, $0xb8;
	[tilespmem:$0x18080] =	vst v63  }
0x40: {  	s0 =	rddreg [dreg:$0xa]  }
0x41: {  	[hbm4b:s5+s3] =	stream.indirect_vreg.scatter [tilespmem:s0], [sflag:$0x1], $0x80, v3, vm0, $0xb8;
	[tilespmem:$0x18080] =	vst v63  }
0x42: {  	v3 =	vld [tilespmem:$0x10];
	_ =	sdelay $0x4  }
0x43: {  	v57 =	vshrl.u32 v3, $0x3  }
0x44: {  	v4 =	vmul.u32 $0x30, v57  }
0x45: {  	v3 =	vand.u32 $0x7, v3  }
0x46: {  	v3 =	vor.u32 v3, v4  }
0x47: {  	v4 =	vperm.xlane v3, v0;
	_ =	sdelay $0x1  }
0x48: {  	v4 =	vadd.s32 v1, v4;
	_ =	sdelay $0x3  }
0x49: {  	s0 =	rddreg [dreg:$0xb];
	v3 =	vperm.xlane v3, v2  }
0x4a: {  	[hbm4b:s2+s3] =	stream.indirect_vreg.scatter [tilespmem:s0], [sflag:$0x1], $0x80, v4, vm0, $0xb8;
	[tilespmem:$0x18080] =	vst v63  }
0x4b: {  	s9 =	rddreg [dreg:$0xc];
	v3 =	vadd.s32 v1, v3  }
0x4c: {  	[hbm4b:s4+s3] =	stream.indirect_vreg.scatter [tilespmem:s9], [sflag:$0x1], $0x80, v4, vm0, $0xb8;
	[tilespmem:$0x18080] =	vst v63  }
0x4d: {  	s0 =	rddreg [dreg:$0xd]  }
0x4e: {  	[hbm4b:s5+s3] =	stream.indirect_vreg.scatter [tilespmem:s0], [sflag:$0x1], $0x80, v4, vm0, $0xb8;
	[tilespmem:$0x18080] =	vst v63  }
0x4f: {  	s9 =	rddreg [dreg:$0xe]  }
0x50: {  	[hbm4b:s2+s3] =	stream.indirect_vreg.scatter [tilespmem:s9], [sflag:$0x1], $0x80, v3, vm0, $0xb8;
	[tilespmem:$0x18080] =	vst v63  }
0x51: {  	s0 =	rddreg [dreg:$0xf]  }
0x52: {  	[hbm4b:s4+s3] =	stream.indirect_vreg.scatter [tilespmem:s0], [sflag:$0x1], $0x80, v3, vm0, $0xb8;
	[tilespmem:$0x18080] =	vst v63  }
0x53: {  	s9 =	rddreg [dreg:$0x10]  }
0x54: {  	[hbm4b:s5+s3] =	stream.indirect_vreg.scatter [tilespmem:s9], [sflag:$0x1], $0x80, v3, vm0, $0xb8;
	[tilespmem:$0x18080] =	vst v63  }
0x55: {  	v3 =	vld [tilespmem:$0x20];
	_ =	sdelay $0x4  }
0x56: {  	v58 =	vshrl.u32 v3, $0x3  }
0x57: {  	v4 =	vmul.u32 $0x30, v58  }
0x58: {  	v3 =	vand.u32 $0x7, v3  }
0x59: {  	v3 =	vor.u32 v3, v4  }
0x5a: {  	v4 =	vperm.xlane v3, v0;
	_ =	sdelay $0x1  }
0x5b: {  	v4 =	vadd.s32 v1, v4;
	_ =	sdelay $0x3  }
0x5c: {  	s0 =	rddreg [dreg:$0x11];
	v3 =	vperm.xlane v3, v2  }
0x5d: {  	[hbm4b:s2+s3] =	stream.indirect_vreg.scatter [tilespmem:s0], [sflag:$0x1], $0x80, v4, vm0, $0xb8;
	[tilespmem:$0x18080] =	vst v63  }
0x5e: {  	s9 =	rddreg [dreg:$0x12];
	v3 =	vadd.s32 v1, v3  }
0x5f: {  	[hbm4b:s4+s3] =	stream.indirect_vreg.scatter [tilespmem:s9], [sflag:$0x1], $0x80, v4, vm0, $0xb8;
	[tilespmem:$0x18080] =	vst v63  }
0x60: {  	s0 =	rddreg [dreg:$0x13]  }
0x61: {  	[hbm4b:s5+s3] =	stream.indirect_vreg.scatter [tilespmem:s0], [sflag:$0x1], $0x80, v4, vm0, $0xb8;
	[tilespmem:$0x18080] =	vst v63  }
0x62: {  	s9 =	rddreg [dreg:$0x14]  }
0x63: {  	[hbm4b:s2+s3] =	stream.indirect_vreg.scatter [tilespmem:s9], [sflag:$0x1], $0x80, v3, vm0, $0xb8;
	[tilespmem:$0x18080] =	vst v63  }
0x64: {  	s0 =	rddreg [dreg:$0x15]  }
0x65: {  	[hbm4b:s4+s3] =	stream.indirect_vreg.scatter [tilespmem:s0], [sflag:$0x1], $0x80, v3, vm0, $0xb8;
	[tilespmem:$0x18080] =	vst v63  }
0x66: {  	s9 =	rddreg [dreg:$0x16]  }
0x67: {  	[hbm4b:s5+s3] =	stream.indirect_vreg.scatter [tilespmem:s9], [sflag:$0x1], $0x80, v3, vm0, $0xb8;
	[tilespmem:$0x18080] =	vst v63  }
0x68: {  	v3 =	vld [tilespmem:$0x30];
	_ =	sdelay $0x4  }
0x69: {  	v59 =	vshrl.u32 v3, $0x3  }
0x6a: {  	v4 =	vmul.u32 $0x30, v59  }
0x6b: {  	v3 =	vand.u32 $0x7, v3  }
0x6c: {  	v3 =	vor.u32 v3, v4  }
0x6d: {  	v4 =	vperm.xlane v3, v0;
	_ =	sdelay $0x1  }
0x6e: {  	v4 =	vadd.s32 v1, v4;
	_ =	sdelay $0x3  }
0x6f: {  	s0 =	rddreg [dreg:$0x17];
	v3 =	vperm.xlane v3, v2  }
0x70: {  	[hbm4b:s2+s3] =	stream.indirect_vreg.scatter [tilespmem:s0], [sflag:$0x1], $0x80, v4, vm0, $0xb8;
	[tilespmem:$0x18080] =	vst v63  }
0x71: {  	s9 =	rddreg [dreg:$0x18];
	v3 =	vadd.s32 v1, v3  }
0x72: {  	[hbm4b:s4+s3] =	stream.indirect_vreg.scatter [tilespmem:s9], [sflag:$0x1], $0x80, v4, vm0, $0xb8;
	[tilespmem:$0x18080] =	vst v63  }
0x73: {  	s0 =	rddreg [dreg:$0x19]  }
0x74: {  	[hbm4b:s5+s3] =	stream.indirect_vreg.scatter [tilespmem:s0], [sflag:$0x1], $0x80, v4, vm0, $0xb8;
	[tilespmem:$0x18080] =	vst v63  }
0x75: {  	s9 =	rddreg [dreg:$0x1a]  }
0x76: {  	[hbm4b:s2+s3] =	stream.indirect_vreg.scatter [tilespmem:s9], [sflag:$0x1], $0x80, v3, vm0, $0xb8;
	[tilespmem:$0x18080] =	vst v63  }
0x77: {  	s0 =	rddreg [dreg:$0x1b]  }
0x78: {  	[hbm4b:s4+s3] =	stream.indirect_vreg.scatter [tilespmem:s0], [sflag:$0x1], $0x80, v3, vm0, $0xb8;
	[tilespmem:$0x18080] =	vst v63  }
0x79: {  	s9 =	rddreg [dreg:$0x1c]  }
0x7a: {  	[hbm4b:s5+s3] =	stream.indirect_vreg.scatter [tilespmem:s9], [sflag:$0x1], $0x80, v3, vm0, $0xb8;
	[tilespmem:$0x18080] =	vst v63  }
0x7b: {  	v3 =	vld [tilespmem:$0x40];
	_ =	sdelay $0x4  }
0x7c: {  	v60 =	vshrl.u32 v3, $0x3  }
0x7d: {  	v4 =	vmul.u32 $0x30, v60  }
0x7e: {  	v3 =	vand.u32 $0x7, v3  }
0x7f: {  	v3 =	vor.u32 v3, v4  }
0x80: {  	v4 =	vperm.xlane v3, v0;
	_ =	sdelay $0x1  }
0x81: {  	v4 =	vadd.s32 v1, v4;
	_ =	sdelay $0x3  }
0x82: {  	s0 =	rddreg [dreg:$0x1d];
	v3 =	vperm.xlane v3, v2  }
0x83: {  	[hbm4b:s2+s3] =	stream.indirect_vreg.scatter [tilespmem:s0], [sflag:$0x1], $0x80, v4, vm0, $0xb8;
	[tilespmem:$0x18080] =	vst v63  }
0x84: {  	s9 =	rddreg [dreg:$0x1e];
	v3 =	vadd.s32 v1, v3  }
0x85: {  	[hbm4b:s4+s3] =	stream.indirect_vreg.scatter [tilespmem:s9], [sflag:$0x1], $0x80, v4, vm0, $0xb8;
	[tilespmem:$0x18080] =	vst v63  }
0x86: {  	s9 =	simm.s32 $0xD080  }
0x87: {  	[hbm4b:s5+s3] =	stream.indirect_vreg.scatter [tilespmem:s9], [sflag:$0x1], $0x80, v4, vm0, $0xb8;
	[tilespmem:$0x18080] =	vst v63  }
0x88: {  	_ = 	snop  }
0x89: {  	[hbm4b:s2+s3] =	stream.indirect_vreg.scatter [tilespmem:s10], [sflag:$0x1], $0x80, v3, vm0, $0xb8;
	[tilespmem:$0x18080] =	vst v63  }
0x8a: {  	_ = 	snop  }
0x8b: {  	[hbm4b:s4+s3] =	stream.indirect_vreg.scatter [tilespmem:s11], [sflag:$0x1], $0x80, v3, vm0, $0xb8;
	[tilespmem:$0x18080] =	vst v63  }
0x8c: {  	_ = 	snop  }
0x8d: {  	[hbm4b:s5+s3] =	stream.indirect_vreg.scatter [tilespmem:s12], [sflag:$0x1], $0x80, v3, vm0, $0xb8;
	[tilespmem:$0x18080] =	vst v63  }
0x8e: {  	v3 =	vld [tilespmem:$0x50];
	_ =	sdelay $0x4  }
0x8f: {  	v61 =	vshrl.u32 v3, $0x3  }
0x90: {  	v4 =	vmul.u32 $0x30, v61  }
0x91: {  	v3 =	vand.u32 $0x7, v3  }
0x92: {  	v3 =	vor.u32 v3, v4  }
0x93: {  	v4 =	vperm.xlane v3, v0;
	_ =	sdelay $0x1  }
0x94: {  	v4 =	vadd.s32 v1, v4;
	_ =	sdelay $0x3  }
0x95: {  	v3 =	vperm.xlane v3, v2  }
0x96: {  	[hbm4b:s2+s3] =	stream.indirect_vreg.scatter [tilespmem:s13], [sflag:$0x1], $0x80, v4, vm0, $0xb8;
	[tilespmem:$0x18080] =	vst v63  }
0x97: {  	v3 =	vadd.s32 v1, v3  }
0x98: {  	[hbm4b:s4+s3] =	stream.indirect_vreg.scatter [tilespmem:s14], [sflag:$0x1], $0x80, v4, vm0, $0xb8;
	[tilespmem:$0x18080] =	vst v63  }
0x99: {  	_ = 	snop  }
0x9a: {  	[hbm4b:s5+s3] =	stream.indirect_vreg.scatter [tilespmem:s15], [sflag:$0x1], $0x80, v4, vm0, $0xb8;
	[tilespmem:$0x18080] =	vst v63  }
0x9b: {  	_ = 	snop  }
0x9c: {  	[hbm4b:s2+s3] =	stream.indirect_vreg.scatter [tilespmem:s16], [sflag:$0x1], $0x80, v3, vm0, $0xb8;
	[tilespmem:$0x18080] =	vst v63  }
0x9d: {  	_ = 	snop  }
0x9e: {  	[hbm4b:s4+s3] =	stream.indirect_vreg.scatter [tilespmem:s17], [sflag:$0x1], $0x80, v3, vm0, $0xb8;
	[tilespmem:$0x18080] =	vst v63  }
0x9f: {  	_ = 	snop  }
0xa0: {  	[hbm4b:s5+s3] =	stream.indirect_vreg.scatter [tilespmem:s18], [sflag:$0x1], $0x80, v3, vm0, $0xb8;
	[tilespmem:$0x18080] =	vst v63  }
0xa1: {  	v3 =	vld [tilespmem:$0x60];
	_ =	sdelay $0x4  }
0xa2: {  	v62 =	vshrl.u32 v3, $0x3  }
0xa3: {  	v4 =	vmul.u32 $0x30, v62  }
0xa4: {  	v3 =	vand.u32 $0x7, v3  }
0xa5: {  	v3 =	vor.u32 v3, v4  }
0xa6: {  	v4 =	vperm.xlane v3, v0;
	_ =	sdelay $0x1  }
0xa7: {  	v4 =	vadd.s32 v1, v4;
	_ =	sdelay $0x3  }
0xa8: {  	v3 =	vperm.xlane v3, v2  }
0xa9: {  	[hbm4b:s2+s3] =	stream.indirect_vreg.scatter [tilespmem:s19], [sflag:$0x1], $0x80, v4, vm0, $0xb8;
	[tilespmem:$0x18080] =	vst v63  }
0xaa: {  	v3 =	vadd.s32 v1, v3  }
0xab: {  	[hbm4b:s4+s3] =	stream.indirect_vreg.scatter [tilespmem:s20], [sflag:$0x1], $0x80, v4, vm0, $0xb8;
	[tilespmem:$0x18080] =	vst v63  }
0xac: {  	_ = 	snop  }
0xad: {  	[hbm4b:s5+s3] =	stream.indirect_vreg.scatter [tilespmem:s21], [sflag:$0x1], $0x80, v4, vm0, $0xb8;
	[tilespmem:$0x18080] =	vst v63  }
0xae: {  	_ = 	snop  }
0xaf: {  	[hbm4b:s2+s3] =	stream.indirect_vreg.scatter [tilespmem:s22], [sflag:$0x1], $0x80, v3, vm0, $0xb8;
	[tilespmem:$0x18080] =	vst v63  }
0xb0: {  	_ = 	snop  }
0xb1: {  	[hbm4b:s4+s3] =	stream.indirect_vreg.scatter [tilespmem:s23], [sflag:$0x1], $0x80, v3, vm0, $0xb8;
	[tilespmem:$0x18080] =	vst v63  }
0xb2: {  	_ = 	snop  }
0xb3: {  	[hbm4b:s5+s3] =	stream.indirect_vreg.scatter [tilespmem:s24], [sflag:$0x1], $0x80, v3, vm0, $0xb8;
	[tilespmem:$0x18080] =	vst v63  }
0xb4: {  	v3 =	vld [tilespmem:$0x70];
	_ =	sdelay $0x4  }
0xb5: {  	v63 =	vshrl.u32 v3, $0x3  }
0xb6: {  	v4 =	vmul.u32 $0x30, v63  }
0xb7: {  	v3 =	vand.u32 $0x7, v3  }
0xb8: {  	v3 =	vor.u32 v3, v4  }
0xb9: {  	v4 =	vperm.xlane v3, v0;
	_ =	sdelay $0x1  }
0xba: {  	v4 =	vadd.s32 v1, v4;
	_ =	sdelay $0x3  }
0xbb: {  	v3 =	vperm.xlane v3, v2  }
0xbc: {  	[hbm4b:s2+s3] =	stream.indirect_vreg.scatter [tilespmem:s25], [sflag:$0x1], $0x80, v4, vm0, $0xb8;
	[tilespmem:$0x18080] =	vst v63  }
0xbd: {  	v3 =	vadd.s32 v1, v3  }
0xbe: {  	[hbm4b:s4+s3] =	stream.indirect_vreg.scatter [tilespmem:s26], [sflag:$0x1], $0x80, v4, vm0, $0xb8;
	[tilespmem:$0x18080] =	vst v63  }
0xbf: {  	_ = 	snop  }
0xc0: {  	[hbm4b:s5+s3] =	stream.indirect_vreg.scatter [tilespmem:s28], [sflag:$0x1], $0x80, v4, vm0, $0xb8;
	[tilespmem:$0x18080] =	vst v63  }
0xc1: {  	_ = 	snop  }
0xc2: {  	[hbm4b:s2+s3] =	stream.indirect_vreg.scatter [tilespmem:s29], [sflag:$0x1], $0x80, v3, vm0, $0xb8;
	[tilespmem:$0x18080] =	vst v63  }
0xc3: {  	p0 =	sne.s32 s6, $0x1  }
0xc4: {  	[hbm4b:s4+s3] =	stream.indirect_vreg.scatter [tilespmem:s30], [sflag:$0x1], $0x80, v3, vm0, $0xb8;
	[tilespmem:$0x18080] =	vst v63  }
.Ltmp0:
0xc5: {  	_ = 	snop;
	(pc) =	sbr.rel @p0 .LBB2_1-.Ltmp0, $4  }
0xc6: {  	[hbm4b:s5+s3] =	stream.indirect_vreg.scatter [tilespmem:s31], [sflag:$0x1], $0x80, v3, vm0, $0xb8;
	[tilespmem:$0x18080] =	vst v63  }
0xc7: {  	_ =	swait.ge [sflag:s1], $0x18000  }
0xc8: {  	[sflag:s1] =	ssyncset.done $0x0  }
0xc9: {  	s6 =	sadd.s32 $0xFFFFFFFF, s6;
	[sflag:s1] =	ssyncadd.s32 $0xFFFE8000  }
0xca: {  	_ =	sfence.sel $0x180000  }
0xcb: {  	[bflag:$0x0] =	sbarrier.arrive $0xFFFF  }
0xcc: {  	_ =	strace $0x90000047  }
0xcd: {  	s0 =	stileid.u32;
	[bflag:$0x2] =	sbarrier.arrive $0xFFFF  }
0xce: {  	p0 =	sne.s32 s0, $0x0;
	s0 =	rddreg [dreg:$0x3]  }
0xcf: {  	s0 =	sadd.s32 @!p0 $0x100000, s0  }
0xd0: {  	[sflag:s0] =	ssyncadd.tile.s32 @!p0 $0x1;
	_ =	shalt  }
.Lfunc_end2:
_tile_overlayer_lowered:
.L_overlay_start_2:
0xd1: {  	(tag) =	ssettag $0x2  }
0xd2: {  	s0 =	rddreg [dreg:$0x0];
	s2 =	stileid.u32  }
0xd3: {  	s1 =	rddreg [dreg:$0x1];
	p0 =	sne.s32 s2, $0x0  }
0xd4: {  	s3 =	rddreg [dreg:$0x2];
	[bflag:$0x3] =	sbarrier.arrive $0xFFFF;
	s2 =	simm.s32 @!p0 $0x1C02  }
0xd5: {  	[timem:s3], [sflag:s2] =	dma.local @!p0 [hbm:s0], s1  }
0xd6: {  	s0 =	simm.s32 @!p0 $0x2  }
0xd7: {  	_ =	swait.ge @!p0 [sflag:s0], s1  }
0xd8: {  	s1 =	ssub.s32 @!p0 $0x0, s1;
	[sflag:s0] =	ssyncset.done @!p0 $0x0  }
0xd9: {  	[sflag:s0] =	ssyncadd.s32 @!p0 s1  }
0xda: {  	[bflag:$0x3] =	sbarrier.arrive $0xFFFF  }
0xdb: {  	_ =	shalt  }

</sc_bundles>
